<compile_context>
chip_gen: v7x
topology: tpu7x:2x2x1
jax: 0.10.2.dev20260603
libtpu: 0.0.44.dev20260713+nightly
codegen_flags: <defaults>
</compile_context>

<pallas_src>
import functools

import jax
import jax.numpy as jnp
from jax import lax
from jax.experimental import pallas as pl
from jax.experimental.pallas import tpu as pltpu
from jax.experimental.pallas import tpu_sc as plsc

CHUNK = 128


def _tc_out(rows2):
    n = rows2.shape[0] * 128
    n_bt = n // (50 * 64 * 128)

    def body(in_ref, out_ref):
        x = in_ref[...].reshape(128, 25, 128)
        x = x.transpose(1, 0, 2)
        y = x.transpose(0, 2, 1)
        y = y.reshape(25, 16, 8, 128)
        y = y.reshape(400, 8, 128).reshape(50, 8, 8, 128)
        out_ref[...] = y.reshape(50, 8, 1, 8, 128)

    return pl.pallas_call(
        body,
        grid=(n_bt,),
        in_specs=[pl.BlockSpec((3200, 128), lambda i: (i, 0))],
        out_specs=pl.BlockSpec((50, 8, 1, 8, 128), lambda i: (0, 0, i, 0, 0)),
        out_shape=jax.ShapeDtypeStruct((50, 8, n_bt, 8, 128), jnp.float32),
    )(rows2)


@functools.lru_cache(maxsize=None)
def _make_gather(n_rows, rows_per_worker, d):
    mesh = plsc.VectorSubcoreMesh(core_axis_name="c", subcore_axis_name="s")
    info = plsc.get_sparse_core_info()
    nc = info.num_cores

    M = 8
    K = 4
    assert rows_per_worker % M == 0 and rows_per_worker > M + K

    @functools.partial(
        pl.kernel,
        mesh=mesh,
        out_type=jax.ShapeDtypeStruct((n_rows, CHUNK, d), jnp.float32),
        scratch_types=[
            pltpu.VMEM((rows_per_worker, CHUNK), jnp.int32),
            pltpu.VMEM((M, CHUNK, d), jnp.float32),
            pltpu.SemaphoreType.DMA((M,)),
            pltpu.SemaphoreType.DMA((M,)),
        ],
        compiler_params=pltpu.CompilerParams(use_tc_tiling_on_sc=False),
    )
    def k(idx_hbm, table_hbm, out_hbm, idx_v, rows_v, gsem, wsem):
        wid = lax.axis_index("s") * nc + lax.axis_index("c")
        base = wid * rows_per_worker
        pltpu.sync_copy(idx_hbm.at[pl.ds(base, rows_per_worker)], idx_v)

        def gather(j, b):
            pltpu.async_copy(table_hbm.at[idx_v.at[j]], rows_v.at[b],
                             gsem.at[b])

        def write(j, b):
            pltpu.make_async_copy(rows_v.at[b], out_hbm.at[base + j],
                                  gsem.at[b]).wait()
            pltpu.async_copy(rows_v.at[b], out_hbm.at[base + j], wsem.at[b])

        for j in range(M):
            gather(j, j % M)
            if j >= K:
                write(j - K, (j - K) % M)

        def group(g, carry):
            for b in range(M):
                j = g * M + b
                pltpu.make_async_copy(rows_v.at[b], out_hbm.at[0],
                                      wsem.at[b]).wait()
                gather(j, b)
                b2 = (b - K) % M
                write(j - K, b2)
            return carry

        lax.fori_loop(1, rows_per_worker // M, group, 0)

        for jj in range(rows_per_worker - K, rows_per_worker):
            write(jj, jj % M)
        for b in range(M):
            pltpu.make_async_copy(rows_v.at[b], out_hbm.at[0],
                                  wsem.at[b]).wait()

    return k


def kernel(input_text, table):
    b, h = input_text.shape
    v, d = table.shape
    total = b * h
    n_rows = total // CHUNK
    rows_per_worker = n_rows // 32
    idx = input_text.reshape(n_rows, CHUNK).astype(jnp.int32)
    rows = _make_gather(n_rows, rows_per_worker, d)(idx, table)
    out5 = _tc_out(rows.reshape(total * d // 128, 128))
    return out5.transpose(2, 4, 0, 1, 3).reshape(b, h, d)

# --- scband reference (transcript-rebuilt; emitter-appended) ---
"""Pipeline reference for scband-semantic-embedding-56788057587850 (READ-ONLY COPY).

The authoritative reference and input builder live on the scoring server;
editing this copy changes nothing except your own understanding.
"""

import jax, jax.numpy as jnp
import numpy as np

VOCAB = 1000000
EMBED_DIM = 64
BATCH = 16384
HIST = 50

def setup_inputs(seed: int = 0) -> dict:
    key = jax.random.key(seed)
    k_idx, k_tab = jax.random.split(key)
    input_text = jax.random.randint(k_idx, (BATCH, HIST), 0, VOCAB, dtype=jnp.int64) if jax.config.jax_enable_x64 else jax.random.randint(k_idx, (BATCH, HIST), 0, VOCAB, dtype=jnp.int32)
    table = jax.random.normal(k_tab, (VOCAB, EMBED_DIM), dtype=jnp.float32)
    return {"input_text": input_text, "table": table}

def reference(input_text, table):
    # embedding lookup: gather rows of table by index
    embedded_text = jnp.take(table, input_text, axis=0)
    return embedded_text

if __name__ == "__main__":
    import jax
    _d = setup_inputs()
    print(jax.jit(kernel)(*tuple(_d.values())))

</pallas_src>

<mosaic_0001>
#map = affine_map<(d0, d1) -> (0, 0)>
#map1 = affine_map<(d0, d1) -> (0, 0, 0)>
module attributes {stable_mosaic.version = 14 : i64} {
  func.func @k(%arg0: i32, %arg1: i32, %arg2: memref<6400x128xi32, #tpu.memory_space<hbm>>, %arg3: memref<1000000x64xf32, #tpu.memory_space<hbm>>, %arg4: memref<6400x128x64xf32, #tpu.memory_space<hbm>>, %arg5: memref<200x128xi32, #tpu.memory_space<vmem>>, %arg6: memref<8x128x64xf32, #tpu.memory_space<vmem>>, %arg7: memref<8x!tpu.dma_semaphore, #tpu.memory_space<semaphore_mem>>, %arg8: memref<8x!tpu.dma_semaphore, #tpu.memory_space<semaphore_mem>>) attributes {dimension_semantics = [#tpu.dimension_semantics<core_parallel>, #tpu.dimension_semantics<subcore_parallel>], iteration_bounds = array<i64: 2, 16>, scalar_prefetch = 0 : i64, scratch_operands = 4 : i64, tpu.core_type = #tpu.core_type<sc_vector_subcore>, window_params = [{transform_indices = #map}, {transform_indices = #map}, {transform_indices = #map1}]} {
    %mul3A = arith.constant 2 : i32
    %mul3A_0 = arith.muli %arg1, %mul3A : i32
    %add3A = arith.addi %mul3A_0, %arg0 : i32
    %mul3A_1 = arith.constant 200 : i32
    %mul3A_2 = arith.muli %add3A, %mul3A_1 : i32
    "tpu.region"() ({
      %run_scoped3A = tpu.sem_alloc : memref<!tpu.dma_semaphore, #tpu.memory_space<semaphore_mem>>
      %dma_start3A_646 = arith.constant 0 : i32
      %dma_start3A_647 = tpu.memref_slice %arg2[%mul3A_2, %dma_start3A_646] : memref<6400x128xi32, #tpu.memory_space<hbm>> -> memref<200x128xi32, #tpu.memory_space<hbm>>
      %dma_start3A_648 = arith.constant 0 : i32
      %dma_start3A_649 = tpu.memref_slice %arg2[%mul3A_2, %dma_start3A_648] : memref<6400x128xi32, #tpu.memory_space<hbm>> -> memref<200x128xi32, #tpu.memory_space<hbm>>
      tpu.enqueue_dma source(%dma_start3A_649 : memref<200x128xi32, #tpu.memory_space<hbm>>) target(%arg5 : memref<200x128xi32, #tpu.memory_space<vmem>>) target_semaphore(%run_scoped3A : memref<!tpu.dma_semaphore, #tpu.memory_space<semaphore_mem>>)
      %dma_wait3A_650 = arith.constant 0 : i32
      %dma_wait3A_651 = tpu.memref_slice %arg2[%mul3A_2, %dma_wait3A_650] : memref<6400x128xi32, #tpu.memory_space<hbm>> -> memref<200x128xi32, #tpu.memory_space<hbm>>
      %dma_wait3A_652 = arith.constant 0 : i32
      %dma_wait3A_653 = tpu.memref_slice %arg2[%mul3A_2, %dma_wait3A_652] : memref<6400x128xi32, #tpu.memory_space<hbm>> -> memref<200x128xi32, #tpu.memory_space<hbm>>
      tpu.wait_dma2 semaphore(%run_scoped3A : memref<!tpu.dma_semaphore, #tpu.memory_space<semaphore_mem>>) src(%dma_wait3A_653 : memref<200x128xi32, #tpu.memory_space<hbm>>) dst(%arg5 : memref<200x128xi32, #tpu.memory_space<vmem>>)
      tpu.yield
    }) : () -> ()
    %dma_start3A = arith.constant 0 : i32
    %dma_start3A_3 = arith.constant 0 : i32
    %dma_start3A_4 = arith.constant 0 : i32
    %dma_start3A_5 = arith.constant 0 : i32
    %dma_start3A_6 = arith.constant 0 : i32
    %dma_start3A_7 = tpu.memref_slice %arg6[%dma_start3A_3, %dma_start3A_5, %dma_start3A_6] : memref<8x128x64xf32, #tpu.memory_space<vmem>> -> memref<1x128x64xf32, #tpu.memory_space<vmem>>
    %dma_start3A_8 = tpu.memref_squeeze %dma_start3A_7 : memref<1x128x64xf32, #tpu.memory_space<vmem>> -> memref<128x64xf32, #tpu.memory_space<vmem>>
    %dma_start3A_9 = arith.constant 0 : i32
    %dma_start3A_10 = tpu.memref_slice %arg5[%dma_start3A, %dma_start3A_9] : memref<200x128xi32, #tpu.memory_space<vmem>> -> memref<1x128xi32, #tpu.memory_space<vmem>>
    %dma_start3A_11 = tpu.memref_squeeze %dma_start3A_10 : memref<1x128xi32, #tpu.memory_space<vmem>> -> memref<128xi32, #tpu.memory_space<vmem>>
    %dma_start3A_12 = arith.constant 0 : i32
    %dma_start3A_13 = arith.constant 0 : i32
    %dma_start3A_14 = tpu.memref_slice %arg3[%dma_start3A_12, %dma_start3A_13] : memref<1000000x64xf32, #tpu.memory_space<hbm>> -> memref<1000000x64xf32, #tpu.memory_space<hbm>>
    %dma_start3A_15 = tpu.memref_slice %arg7[%dma_start3A_4] : memref<8x!tpu.dma_semaphore, #tpu.memory_space<semaphore_mem>> -> memref<1x!tpu.dma_semaphore, #tpu.memory_space<semaphore_mem>>
    %dma_start3A_16 = tpu.memref_squeeze %dma_start3A_15 : memref<1x!tpu.dma_semaphore, #tpu.memory_space<semaphore_mem>> -> memref<!tpu.dma_semaphore, #tpu.memory_space<semaphore_mem>>
    tpu.enqueue_indirect_dma source(%dma_start3A_14 : memref<1000000x64xf32, #tpu.memory_space<hbm>>) target(%dma_start3A_8 : memref<128x64xf32, #tpu.memory_space<vmem>>) offsets(%dma_start3A_11 : memref<128xi32, #tpu.memory_space<vmem>>) semaphore(%dma_start3A_16 : memref<!tpu.dma_semaphore, #tpu.memory_space<semaphore_mem>>)
    %dma_start3A_17 = arith.constant 1 : i32
    %dma_start3A_18 = arith.constant 1 : i32
    %dma_start3A_19 = arith.constant 1 : i32
    %dma_start3A_20 = arith.constant 0 : i32
    %dma_start3A_21 = arith.constant 0 : i32
    %dma_start3A_22 = tpu.memref_slice %arg6[%dma_start3A_18, %dma_start3A_20, %dma_start3A_21] : memref<8x128x64xf32, #tpu.memory_space<vmem>> -> memref<1x128x64xf32, #tpu.memory_space<vmem>>
    %dma_start3A_23 = tpu.memref_squeeze %dma_start3A_22 : memref<1x128x64xf32, #tpu.memory_space<vmem>> -> memref<128x64xf32, #tpu.memory_space<vmem>>
    %dma_start3A_24 = arith.constant 0 : i32
    %dma_start3A_25 = tpu.memref_slice %arg5[%dma_start3A_17, %dma_start3A_24] : memref<200x128xi32, #tpu.memory_space<vmem>> -> memref<1x128xi32, #tpu.memory_space<vmem>>
    %dma_start3A_26 = tpu.memref_squeeze %dma_start3A_25 : memref<1x128xi32, #tpu.memory_space<vmem>> -> memref<128xi32, #tpu.memory_space<vmem>>
    %dma_start3A_27 = arith.constant 0 : i32
    %dma_start3A_28 = arith.constant 0 : i32
    %dma_start3A_29 = tpu.memref_slice %arg3[%dma_start3A_27, %dma_start3A_28] : memref<1000000x64xf32, #tpu.memory_space<hbm>> -> memref<1000000x64xf32, #tpu.memory_space<hbm>>
    %dma_start3A_30 = tpu.memref_slice %arg7[%dma_start3A_19] : memref<8x!tpu.dma_semaphore, #tpu.memory_space<semaphore_mem>> -> memref<1x!tpu.dma_semaphore, #tpu.memory_space<semaphore_mem>>
    %dma_start3A_31 = tpu.memref_squeeze %dma_start3A_30 : memref<1x!tpu.dma_semaphore, #tpu.memory_space<semaphore_mem>> -> memref<!tpu.dma_semaphore, #tpu.memory_space<semaphore_mem>>
    tpu.enqueue_indirect_dma source(%dma_start3A_29 : memref<1000000x64xf32, #tpu.memory_space<hbm>>) target(%dma_start3A_23 : memref<128x64xf32, #tpu.memory_space<vmem>>) offsets(%dma_start3A_26 : memref<128xi32, #tpu.memory_space<vmem>>) semaphore(%dma_start3A_31 : memref<!tpu.dma_semaphore, #tpu.memory_space<semaphore_mem>>)
    %dma_start3A_32 = arith.constant 2 : i32
    %dma_start3A_33 = arith.constant 2 : i32
    %dma_start3A_34 = arith.constant 2 : i32
    %dma_start3A_35 = arith.constant 0 : i32
    %dma_start3A_36 = arith.constant 0 : i32
    %dma_start3A_37 = tpu.memref_slice %arg6[%dma_start3A_33, %dma_start3A_35, %dma_start3A_36] : memref<8x128x64xf32, #tpu.memory_space<vmem>> -> memref<1x128x64xf32, #tpu.memory_space<vmem>>
    %dma_start3A_38 = tpu.memref_squeeze %dma_start3A_37 : memref<1x128x64xf32, #tpu.memory_space<vmem>> -> memref<128x64xf32, #tpu.memory_space<vmem>>
    %dma_start3A_39 = arith.constant 0 : i32
    %dma_start3A_40 = tpu.memref_slice %arg5[%dma_start3A_32, %dma_start3A_39] : memref<200x128xi32, #tpu.memory_space<vmem>> -> memref<1x128xi32, #tpu.memory_space<vmem>>
    %dma_start3A_41 = tpu.memref_squeeze %dma_start3A_40 : memref<1x128xi32, #tpu.memory_space<vmem>> -> memref<128xi32, #tpu.memory_space<vmem>>
    %dma_start3A_42 = arith.constant 0 : i32
    %dma_start3A_43 = arith.constant 0 : i32
    %dma_start3A_44 = tpu.memref_slice %arg3[%dma_start3A_42, %dma_start3A_43] : memref<1000000x64xf32, #tpu.memory_space<hbm>> -> memref<1000000x64xf32, #tpu.memory_space<hbm>>
    %dma_start3A_45 = tpu.memref_slice %arg7[%dma_start3A_34] : memref<8x!tpu.dma_semaphore, #tpu.memory_space<semaphore_mem>> -> memref<1x!tpu.dma_semaphore, #tpu.memory_space<semaphore_mem>>
    %dma_start3A_46 = tpu.memref_squeeze %dma_start3A_45 : memref<1x!tpu.dma_semaphore, #tpu.memory_space<semaphore_mem>> -> memref<!tpu.dma_semaphore, #tpu.memory_space<semaphore_mem>>
    tpu.enqueue_indirect_dma source(%dma_start3A_44 : memref<1000000x64xf32, #tpu.memory_space<hbm>>) target(%dma_start3A_38 : memref<128x64xf32, #tpu.memory_space<vmem>>) offsets(%dma_start3A_41 : memref<128xi32, #tpu.memory_space<vmem>>) semaphore(%dma_start3A_46 : memref<!tpu.dma_semaphore, #tpu.memory_space<semaphore_mem>>)
    %dma_start3A_47 = arith.constant 3 : i32
    %dma_start3A_48 = arith.constant 3 : i32
    %dma_start3A_49 = arith.constant 3 : i32
    %dma_start3A_50 = arith.constant 0 : i32
    %dma_start3A_51 = arith.constant 0 : i32
    %dma_start3A_52 = tpu.memref_slice %arg6[%dma_start3A_48, %dma_start3A_50, %dma_start3A_51] : memref<8x128x64xf32, #tpu.memory_space<vmem>> -> memref<1x128x64xf32, #tpu.memory_space<vmem>>
    %dma_start3A_53 = tpu.memref_squeeze %dma_start3A_52 : memref<1x128x64xf32, #tpu.memory_space<vmem>> -> memref<128x64xf32, #tpu.memory_space<vmem>>
    %dma_start3A_54 = arith.constant 0 : i32
    %dma_start3A_55 = tpu.memref_slice %arg5[%dma_start3A_47, %dma_start3A_54] : memref<200x128xi32, #tpu.memory_space<vmem>> -> memref<1x128xi32, #tpu.memory_space<vmem>>
    %dma_start3A_56 = tpu.memref_squeeze %dma_start3A_55 : memref<1x128xi32, #tpu.memory_space<vmem>> -> memref<128xi32, #tpu.memory_space<vmem>>
    %dma_start3A_57 = arith.constant 0 : i32
    %dma_start3A_58 = arith.constant 0 : i32
    %dma_start3A_59 = tpu.memref_slice %arg3[%dma_start3A_57, %dma_start3A_58] : memref<1000000x64xf32, #tpu.memory_space<hbm>> -> memref<1000000x64xf32, #tpu.memory_space<hbm>>
    %dma_start3A_60 = tpu.memref_slice %arg7[%dma_start3A_49] : memref<8x!tpu.dma_semaphore, #tpu.memory_space<semaphore_mem>> -> memref<1x!tpu.dma_semaphore, #tpu.memory_space<semaphore_mem>>
    %dma_start3A_61 = tpu.memref_squeeze %dma_start3A_60 : memref<1x!tpu.dma_semaphore, #tpu.memory_space<semaphore_mem>> -> memref<!tpu.dma_semaphore, #tpu.memory_space<semaphore_mem>>
    tpu.enqueue_indirect_dma source(%dma_start3A_59 : memref<1000000x64xf32, #tpu.memory_space<hbm>>) target(%dma_start3A_53 : memref<128x64xf32, #tpu.memory_space<vmem>>) offsets(%dma_start3A_56 : memref<128xi32, #tpu.memory_space<vmem>>) semaphore(%dma_start3A_61 : memref<!tpu.dma_semaphore, #tpu.memory_space<semaphore_mem>>)
    %dma_start3A_62 = arith.constant 4 : i32
    %dma_start3A_63 = arith.constant 4 : i32
    %dma_start3A_64 = arith.constant 4 : i32
    %dma_start3A_65 = arith.constant 0 : i32
    %dma_start3A_66 = arith.constant 0 : i32
    %dma_start3A_67 = tpu.memref_slice %arg6[%dma_start3A_63, %dma_start3A_65, %dma_start3A_66] : memref<8x128x64xf32, #tpu.memory_space<vmem>> -> memref<1x128x64xf32, #tpu.memory_space<vmem>>
    %dma_start3A_68 = tpu.memref_squeeze %dma_start3A_67 : memref<1x128x64xf32, #tpu.memory_space<vmem>> -> memref<128x64xf32, #tpu.memory_space<vmem>>
    %dma_start3A_69 = arith.constant 0 : i32
    %dma_start3A_70 = tpu.memref_slice %arg5[%dma_start3A_62, %dma_start3A_69] : memref<200x128xi32, #tpu.memory_space<vmem>> -> memref<1x128xi32, #tpu.memory_space<vmem>>
    %dma_start3A_71 = tpu.memref_squeeze %dma_start3A_70 : memref<1x128xi32, #tpu.memory_space<vmem>> -> memref<128xi32, #tpu.memory_space<vmem>>
    %dma_start3A_72 = arith.constant 0 : i32
    %dma_start3A_73 = arith.constant 0 : i32
    %dma_start3A_74 = tpu.memref_slice %arg3[%dma_start3A_72, %dma_start3A_73] : memref<1000000x64xf32, #tpu.memory_space<hbm>> -> memref<1000000x64xf32, #tpu.memory_space<hbm>>
    %dma_start3A_75 = tpu.memref_slice %arg7[%dma_start3A_64] : memref<8x!tpu.dma_semaphore, #tpu.memory_space<semaphore_mem>> -> memref<1x!tpu.dma_semaphore, #tpu.memory_space<semaphore_mem>>
    %dma_start3A_76 = tpu.memref_squeeze %dma_start3A_75 : memref<1x!tpu.dma_semaphore, #tpu.memory_space<semaphore_mem>> -> memref<!tpu.dma_semaphore, #tpu.memory_space<semaphore_mem>>
    tpu.enqueue_indirect_dma source(%dma_start3A_74 : memref<1000000x64xf32, #tpu.memory_space<hbm>>) target(%dma_start3A_68 : memref<128x64xf32, #tpu.memory_space<vmem>>) offsets(%dma_start3A_71 : memref<128xi32, #tpu.memory_space<vmem>>) semaphore(%dma_start3A_76 : memref<!tpu.dma_semaphore, #tpu.memory_space<semaphore_mem>>)
    %add3A_77 = arith.constant 0 : i32
    %add3A_78 = arith.addi %mul3A_2, %add3A_77 : i32
    %dma_wait3A = arith.constant 0 : i32
    %dma_wait3A_79 = arith.constant 0 : i32
    %dma_wait3A_80 = arith.constant 0 : i32
    %dma_wait3A_81 = arith.constant 0 : i32
    %dma_wait3A_82 = tpu.memref_slice %arg6[%dma_wait3A, %dma_wait3A_80, %dma_wait3A_81] : memref<8x128x64xf32, #tpu.memory_space<vmem>> -> memref<1x128x64xf32, #tpu.memory_space<vmem>>
    %dma_wait3A_83 = tpu.memref_squeeze %dma_wait3A_82 : memref<1x128x64xf32, #tpu.memory_space<vmem>> -> memref<128x64xf32, #tpu.memory_space<vmem>>
    %dma_wait3A_84 = arith.constant 0 : i32
    %dma_wait3A_85 = arith.constant 0 : i32
    %dma_wait3A_86 = tpu.memref_slice %arg4[%add3A_78, %dma_wait3A_84, %dma_wait3A_85] : memref<6400x128x64xf32, #tpu.memory_space<hbm>> -> memref<1x128x64xf32, #tpu.memory_space<hbm>>
    %dma_wait3A_87 = tpu.memref_squeeze %dma_wait3A_86 : memref<1x128x64xf32, #tpu.memory_space<hbm>> -> memref<128x64xf32, #tpu.memory_space<hbm>>
    %dma_wait3A_88 = tpu.memref_slice %arg7[%dma_wait3A_79] : memref<8x!tpu.dma_semaphore, #tpu.memory_space<semaphore_mem>> -> memref<1x!tpu.dma_semaphore, #tpu.memory_space<semaphore_mem>>
    %dma_wait3A_89 = tpu.memref_squeeze %dma_wait3A_88 : memref<1x!tpu.dma_semaphore, #tpu.memory_space<semaphore_mem>> -> memref<!tpu.dma_semaphore, #tpu.memory_space<semaphore_mem>>
    %dma_wait3A_90 = arith.constant 0 : i32
    %dma_wait3A_91 = arith.constant 0 : i32
    %dma_wait3A_92 = tpu.memref_slice %arg4[%add3A_78, %dma_wait3A_90, %dma_wait3A_91] : memref<6400x128x64xf32, #tpu.memory_space<hbm>> -> memref<1x128x64xf32, #tpu.memory_space<hbm>>
    %dma_wait3A_93 = tpu.memref_squeeze %dma_wait3A_92 : memref<1x128x64xf32, #tpu.memory_space<hbm>> -> memref<128x64xf32, #tpu.memory_space<hbm>>
    %dma_wait3A_94 = arith.constant 0 : i32
    %dma_wait3A_95 = arith.constant 0 : i32
    %dma_wait3A_96 = tpu.memref_slice %arg6[%dma_wait3A, %dma_wait3A_94, %dma_wait3A_95] : memref<8x128x64xf32, #tpu.memory_space<vmem>> -> memref<1x128x64xf32, #tpu.memory_space<vmem>>
    %dma_wait3A_97 = tpu.memref_squeeze %dma_wait3A_96 : memref<1x128x64xf32, #tpu.memory_space<vmem>> -> memref<128x64xf32, #tpu.memory_space<vmem>>
    tpu.wait_dma2 semaphore(%dma_wait3A_89 : memref<!tpu.dma_semaphore, #tpu.memory_space<semaphore_mem>>) src(%dma_wait3A_97 : memref<128x64xf32, #tpu.memory_space<vmem>>) dst(%dma_wait3A_93 : memref<128x64xf32, #tpu.memory_space<hbm>>)
    %add3A_98 = arith.constant 0 : i32
    %add3A_99 = arith.addi %mul3A_2, %add3A_98 : i32
    %dma_start3A_100 = arith.constant 0 : i32
    %dma_start3A_101 = arith.constant 0 : i32
    %dma_start3A_102 = arith.constant 0 : i32
    %dma_start3A_103 = arith.constant 0 : i32
    %dma_start3A_104 = tpu.memref_slice %arg6[%dma_start3A_100, %dma_start3A_102, %dma_start3A_103] : memref<8x128x64xf32, #tpu.memory_space<vmem>> -> memref<1x128x64xf32, #tpu.memory_space<vmem>>
    %dma_start3A_105 = tpu.memref_squeeze %dma_start3A_104 : memref<1x128x64xf32, #tpu.memory_space<vmem>> -> memref<128x64xf32, #tpu.memory_space<vmem>>
    %dma_start3A_106 = arith.constant 0 : i32
    %dma_start3A_107 = arith.constant 0 : i32
    %dma_start3A_108 = tpu.memref_slice %arg4[%add3A_99, %dma_start3A_106, %dma_start3A_107] : memref<6400x128x64xf32, #tpu.memory_space<hbm>> -> memref<1x128x64xf32, #tpu.memory_space<hbm>>
    %dma_start3A_109 = tpu.memref_squeeze %dma_start3A_108 : memref<1x128x64xf32, #tpu.memory_space<hbm>> -> memref<128x64xf32, #tpu.memory_space<hbm>>
    %dma_start3A_110 = tpu.memref_slice %arg8[%dma_start3A_101] : memref<8x!tpu.dma_semaphore, #tpu.memory_space<semaphore_mem>> -> memref<1x!tpu.dma_semaphore, #tpu.memory_space<semaphore_mem>>
    %dma_start3A_111 = tpu.memref_squeeze %dma_start3A_110 : memref<1x!tpu.dma_semaphore, #tpu.memory_space<semaphore_mem>> -> memref<!tpu.dma_semaphore, #tpu.memory_space<semaphore_mem>>
    %dma_start3A_112 = arith.constant 0 : i32
    %dma_start3A_113 = arith.constant 0 : i32
    %dma_start3A_114 = tpu.memref_slice %arg4[%add3A_99, %dma_start3A_112, %dma_start3A_113] : memref<6400x128x64xf32, #tpu.memory_space<hbm>> -> memref<1x128x64xf32, #tpu.memory_space<hbm>>
    %dma_start3A_115 = tpu.memref_squeeze %dma_start3A_114 : memref<1x128x64xf32, #tpu.memory_space<hbm>> -> memref<128x64xf32, #tpu.memory_space<hbm>>
    %dma_start3A_116 = arith.constant 0 : i32
    %dma_start3A_117 = arith.constant 0 : i32
    %dma_start3A_118 = tpu.memref_slice %arg6[%dma_start3A_100, %dma_start3A_116, %dma_start3A_117] : memref<8x128x64xf32, #tpu.memory_space<vmem>> -> memref<1x128x64xf32, #tpu.memory_space<vmem>>
    %dma_start3A_119 = tpu.memref_squeeze %dma_start3A_118 : memref<1x128x64xf32, #tpu.memory_space<vmem>> -> memref<128x64xf32, #tpu.memory_space<vmem>>
    tpu.enqueue_dma source(%dma_start3A_119 : memref<128x64xf32, #tpu.memory_space<vmem>>) target(%dma_start3A_115 : memref<128x64xf32, #tpu.memory_space<hbm>>) target_semaphore(%dma_start3A_111 : memref<!tpu.dma_semaphore, #tpu.memory_space<semaphore_mem>>)
    %dma_start3A_120 = arith.constant 5 : i32
    %dma_start3A_121 = arith.constant 5 : i32
    %dma_start3A_122 = arith.constant 5 : i32
    %dma_start3A_123 = arith.constant 0 : i32
    %dma_start3A_124 = arith.constant 0 : i32
    %dma_start3A_125 = tpu.memref_slice %arg6[%dma_start3A_121, %dma_start3A_123, %dma_start3A_124] : memref<8x128x64xf32, #tpu.memory_space<vmem>> -> memref<1x128x64xf32, #tpu.memory_space<vmem>>
    %dma_start3A_126 = tpu.memref_squeeze %dma_start3A_125 : memref<1x128x64xf32, #tpu.memory_space<vmem>> -> memref<128x64xf32, #tpu.memory_space<vmem>>
    %dma_start3A_127 = arith.constant 0 : i32
    %dma_start3A_128 = tpu.memref_slice %arg5[%dma_start3A_120, %dma_start3A_127] : memref<200x128xi32, #tpu.memory_space<vmem>> -> memref<1x128xi32, #tpu.memory_space<vmem>>
    %dma_start3A_129 = tpu.memref_squeeze %dma_start3A_128 : memref<1x128xi32, #tpu.memory_space<vmem>> -> memref<128xi32, #tpu.memory_space<vmem>>
    %dma_start3A_130 = arith.constant 0 : i32
    %dma_start3A_131 = arith.constant 0 : i32
    %dma_start3A_132 = tpu.memref_slice %arg3[%dma_start3A_130, %dma_start3A_131] : memref<1000000x64xf32, #tpu.memory_space<hbm>> -> memref<1000000x64xf32, #tpu.memory_space<hbm>>
    %dma_start3A_133 = tpu.memref_slice %arg7[%dma_start3A_122] : memref<8x!tpu.dma_semaphore, #tpu.memory_space<semaphore_mem>> -> memref<1x!tpu.dma_semaphore, #tpu.memory_space<semaphore_mem>>
    %dma_start3A_134 = tpu.memref_squeeze %dma_start3A_133 : memref<1x!tpu.dma_semaphore, #tpu.memory_space<semaphore_mem>> -> memref<!tpu.dma_semaphore, #tpu.memory_space<semaphore_mem>>
    tpu.enqueue_indirect_dma source(%dma_start3A_132 : memref<1000000x64xf32, #tpu.memory_space<hbm>>) target(%dma_start3A_126 : memref<128x64xf32, #tpu.memory_space<vmem>>) offsets(%dma_start3A_129 : memref<128xi32, #tpu.memory_space<vmem>>) semaphore(%dma_start3A_134 : memref<!tpu.dma_semaphore, #tpu.memory_space<semaphore_mem>>)
    %add3A_135 = arith.constant 1 : i32
    %add3A_136 = arith.addi %mul3A_2, %add3A_135 : i32
    %dma_wait3A_137 = arith.constant 1 : i32
    %dma_wait3A_138 = arith.constant 1 : i32
    %dma_wait3A_139 = arith.constant 0 : i32
    %dma_wait3A_140 = arith.constant 0 : i32
    %dma_wait3A_141 = tpu.memref_slice %arg6[%dma_wait3A_137, %dma_wait3A_139, %dma_wait3A_140] : memref<8x128x64xf32, #tpu.memory_space<vmem>> -> memref<1x128x64xf32, #tpu.memory_space<vmem>>
    %dma_wait3A_142 = tpu.memref_squeeze %dma_wait3A_141 : memref<1x128x64xf32, #tpu.memory_space<vmem>> -> memref<128x64xf32, #tpu.memory_space<vmem>>
    %dma_wait3A_143 = arith.constant 0 : i32
    %dma_wait3A_144 = arith.constant 0 : i32
    %dma_wait3A_145 = tpu.memref_slice %arg4[%add3A_136, %dma_wait3A_143, %dma_wait3A_144] : memref<6400x128x64xf32, #tpu.memory_space<hbm>> -> memref<1x128x64xf32, #tpu.memory_space<hbm>>
    %dma_wait3A_146 = tpu.memref_squeeze %dma_wait3A_145 : memref<1x128x64xf32, #tpu.memory_space<hbm>> -> memref<128x64xf32, #tpu.memory_space<hbm>>
    %dma_wait3A_147 = tpu.memref_slice %arg7[%dma_wait3A_138] : memref<8x!tpu.dma_semaphore, #tpu.memory_space<semaphore_mem>> -> memref<1x!tpu.dma_semaphore, #tpu.memory_space<semaphore_mem>>
    %dma_wait3A_148 = tpu.memref_squeeze %dma_wait3A_147 : memref<1x!tpu.dma_semaphore, #tpu.memory_space<semaphore_mem>> -> memref<!tpu.dma_semaphore, #tpu.memory_space<semaphore_mem>>
    %dma_wait3A_149 = arith.constant 0 : i32
    %dma_wait3A_150 = arith.constant 0 : i32
    %dma_wait3A_151 = tpu.memref_slice %arg4[%add3A_136, %dma_wait3A_149, %dma_wait3A_150] : memref<6400x128x64xf32, #tpu.memory_space<hbm>> -> memref<1x128x64xf32, #tpu.memory_space<hbm>>
    %dma_wait3A_152 = tpu.memref_squeeze %dma_wait3A_151 : memref<1x128x64xf32, #tpu.memory_space<hbm>> -> memref<128x64xf32, #tpu.memory_space<hbm>>
    %dma_wait3A_153 = arith.constant 0 : i32
    %dma_wait3A_154 = arith.constant 0 : i32
    %dma_wait3A_155 = tpu.memref_slice %arg6[%dma_wait3A_137, %dma_wait3A_153, %dma_wait3A_154] : memref<8x128x64xf32, #tpu.memory_space<vmem>> -> memref<1x128x64xf32, #tpu.memory_space<vmem>>
    %dma_wait3A_156 = tpu.memref_squeeze %dma_wait3A_155 : memref<1x128x64xf32, #tpu.memory_space<vmem>> -> memref<128x64xf32, #tpu.memory_space<vmem>>
    tpu.wait_dma2 semaphore(%dma_wait3A_148 : memref<!tpu.dma_semaphore, #tpu.memory_space<semaphore_mem>>) src(%dma_wait3A_156 : memref<128x64xf32, #tpu.memory_space<vmem>>) dst(%dma_wait3A_152 : memref<128x64xf32, #tpu.memory_space<hbm>>)
    %add3A_157 = arith.constant 1 : i32
    %add3A_158 = arith.addi %mul3A_2, %add3A_157 : i32
    %dma_start3A_159 = arith.constant 1 : i32
    %dma_start3A_160 = arith.constant 1 : i32
    %dma_start3A_161 = arith.constant 0 : i32
    %dma_start3A_162 = arith.constant 0 : i32
    %dma_start3A_163 = tpu.memref_slice %arg6[%dma_start3A_159, %dma_start3A_161, %dma_start3A_162] : memref<8x128x64xf32, #tpu.memory_space<vmem>> -> memref<1x128x64xf32, #tpu.memory_space<vmem>>
    %dma_start3A_164 = tpu.memref_squeeze %dma_start3A_163 : memref<1x128x64xf32, #tpu.memory_space<vmem>> -> memref<128x64xf32, #tpu.memory_space<vmem>>
    %dma_start3A_165 = arith.constant 0 : i32
    %dma_start3A_166 = arith.constant 0 : i32
    %dma_start3A_167 = tpu.memref_slice %arg4[%add3A_158, %dma_start3A_165, %dma_start3A_166] : memref<6400x128x64xf32, #tpu.memory_space<hbm>> -> memref<1x128x64xf32, #tpu.memory_space<hbm>>
    %dma_start3A_168 = tpu.memref_squeeze %dma_start3A_167 : memref<1x128x64xf32, #tpu.memory_space<hbm>> -> memref<128x64xf32, #tpu.memory_space<hbm>>
    %dma_start3A_169 = tpu.memref_slice %arg8[%dma_start3A_160] : memref<8x!tpu.dma_semaphore, #tpu.memory_space<semaphore_mem>> -> memref<1x!tpu.dma_semaphore, #tpu.memory_space<semaphore_mem>>
    %dma_start3A_170 = tpu.memref_squeeze %dma_start3A_169 : memref<1x!tpu.dma_semaphore, #tpu.memory_space<semaphore_mem>> -> memref<!tpu.dma_semaphore, #tpu.memory_space<semaphore_mem>>
    %dma_start3A_171 = arith.constant 0 : i32
    %dma_start3A_172 = arith.constant 0 : i32
    %dma_start3A_173 = tpu.memref_slice %arg4[%add3A_158, %dma_start3A_171, %dma_start3A_172] : memref<6400x128x64xf32, #tpu.memory_space<hbm>> -> memref<1x128x64xf32, #tpu.memory_space<hbm>>
    %dma_start3A_174 = tpu.memref_squeeze %dma_start3A_173 : memref<1x128x64xf32, #tpu.memory_space<hbm>> -> memref<128x64xf32, #tpu.memory_space<hbm>>
    %dma_start3A_175 = arith.constant 0 : i32
    %dma_start3A_176 = arith.constant 0 : i32
    %dma_start3A_177 = tpu.memref_slice %arg6[%dma_start3A_159, %dma_start3A_175, %dma_start3A_176] : memref<8x128x64xf32, #tpu.memory_space<vmem>> -> memref<1x128x64xf32, #tpu.memory_space<vmem>>
    %dma_start3A_178 = tpu.memref_squeeze %dma_start3A_177 : memref<1x128x64xf32, #tpu.memory_space<vmem>> -> memref<128x64xf32, #tpu.memory_space<vmem>>
    tpu.enqueue_dma source(%dma_start3A_178 : memref<128x64xf32, #tpu.memory_space<vmem>>) target(%dma_start3A_174 : memref<128x64xf32, #tpu.memory_space<hbm>>) target_semaphore(%dma_start3A_170 : memref<!tpu.dma_semaphore, #tpu.memory_space<semaphore_mem>>)
    %dma_start3A_179 = arith.constant 6 : i32
    %dma_start3A_180 = arith.constant 6 : i32
    %dma_start3A_181 = arith.constant 6 : i32
    %dma_start3A_182 = arith.constant 0 : i32
    %dma_start3A_183 = arith.constant 0 : i32
    %dma_start3A_184 = tpu.memref_slice %arg6[%dma_start3A_180, %dma_start3A_182, %dma_start3A_183] : memref<8x128x64xf32, #tpu.memory_space<vmem>> -> memref<1x128x64xf32, #tpu.memory_space<vmem>>
    %dma_start3A_185 = tpu.memref_squeeze %dma_start3A_184 : memref<1x128x64xf32, #tpu.memory_space<vmem>> -> memref<128x64xf32, #tpu.memory_space<vmem>>
    %dma_start3A_186 = arith.constant 0 : i32
    %dma_start3A_187 = tpu.memref_slice %arg5[%dma_start3A_179, %dma_start3A_186] : memref<200x128xi32, #tpu.memory_space<vmem>> -> memref<1x128xi32, #tpu.memory_space<vmem>>
    %dma_start3A_188 = tpu.memref_squeeze %dma_start3A_187 : memref<1x128xi32, #tpu.memory_space<vmem>> -> memref<128xi32, #tpu.memory_space<vmem>>
    %dma_start3A_189 = arith.constant 0 : i32
    %dma_start3A_190 = arith.constant 0 : i32
    %dma_start3A_191 = tpu.memref_slice %arg3[%dma_start3A_189, %dma_start3A_190] : memref<1000000x64xf32, #tpu.memory_space<hbm>> -> memref<1000000x64xf32, #tpu.memory_space<hbm>>
    %dma_start3A_192 = tpu.memref_slice %arg7[%dma_start3A_181] : memref<8x!tpu.dma_semaphore, #tpu.memory_space<semaphore_mem>> -> memref<1x!tpu.dma_semaphore, #tpu.memory_space<semaphore_mem>>
    %dma_start3A_193 = tpu.memref_squeeze %dma_start3A_192 : memref<1x!tpu.dma_semaphore, #tpu.memory_space<semaphore_mem>> -> memref<!tpu.dma_semaphore, #tpu.memory_space<semaphore_mem>>
    tpu.enqueue_indirect_dma source(%dma_start3A_191 : memref<1000000x64xf32, #tpu.memory_space<hbm>>) target(%dma_start3A_185 : memref<128x64xf32, #tpu.memory_space<vmem>>) offsets(%dma_start3A_188 : memref<128xi32, #tpu.memory_space<vmem>>) semaphore(%dma_start3A_193 : memref<!tpu.dma_semaphore, #tpu.memory_space<semaphore_mem>>)
    %add3A_194 = arith.constant 2 : i32
    %add3A_195 = arith.addi %mul3A_2, %add3A_194 : i32
    %dma_wait3A_196 = arith.constant 2 : i32
    %dma_wait3A_197 = arith.constant 2 : i32
    %dma_wait3A_198 = arith.constant 0 : i32
    %dma_wait3A_199 = arith.constant 0 : i32
    %dma_wait3A_200 = tpu.memref_slice %arg6[%dma_wait3A_196, %dma_wait3A_198, %dma_wait3A_199] : memref<8x128x64xf32, #tpu.memory_space<vmem>> -> memref<1x128x64xf32, #tpu.memory_space<vmem>>
    %dma_wait3A_201 = tpu.memref_squeeze %dma_wait3A_200 : memref<1x128x64xf32, #tpu.memory_space<vmem>> -> memref<128x64xf32, #tpu.memory_space<vmem>>
    %dma_wait3A_202 = arith.constant 0 : i32
    %dma_wait3A_203 = arith.constant 0 : i32
    %dma_wait3A_204 = tpu.memref_slice %arg4[%add3A_195, %dma_wait3A_202, %dma_wait3A_203] : memref<6400x128x64xf32, #tpu.memory_space<hbm>> -> memref<1x128x64xf32, #tpu.memory_space<hbm>>
    %dma_wait3A_205 = tpu.memref_squeeze %dma_wait3A_204 : memref<1x128x64xf32, #tpu.memory_space<hbm>> -> memref<128x64xf32, #tpu.memory_space<hbm>>
    %dma_wait3A_206 = tpu.memref_slice %arg7[%dma_wait3A_197] : memref<8x!tpu.dma_semaphore, #tpu.memory_space<semaphore_mem>> -> memref<1x!tpu.dma_semaphore, #tpu.memory_space<semaphore_mem>>
    %dma_wait3A_207 = tpu.memref_squeeze %dma_wait3A_206 : memref<1x!tpu.dma_semaphore, #tpu.memory_space<semaphore_mem>> -> memref<!tpu.dma_semaphore, #tpu.memory_space<semaphore_mem>>
    %dma_wait3A_208 = arith.constant 0 : i32
    %dma_wait3A_209 = arith.constant 0 : i32
    %dma_wait3A_210 = tpu.memref_slice %arg4[%add3A_195, %dma_wait3A_208, %dma_wait3A_209] : memref<6400x128x64xf32, #tpu.memory_space<hbm>> -> memref<1x128x64xf32, #tpu.memory_space<hbm>>
    %dma_wait3A_211 = tpu.memref_squeeze %dma_wait3A_210 : memref<1x128x64xf32, #tpu.memory_space<hbm>> -> memref<128x64xf32, #tpu.memory_space<hbm>>
    %dma_wait3A_212 = arith.constant 0 : i32
    %dma_wait3A_213 = arith.constant 0 : i32
    %dma_wait3A_214 = tpu.memref_slice %arg6[%dma_wait3A_196, %dma_wait3A_212, %dma_wait3A_213] : memref<8x128x64xf32, #tpu.memory_space<vmem>> -> memref<1x128x64xf32, #tpu.memory_space<vmem>>
    %dma_wait3A_215 = tpu.memref_squeeze %dma_wait3A_214 : memref<1x128x64xf32, #tpu.memory_space<vmem>> -> memref<128x64xf32, #tpu.memory_space<vmem>>
    tpu.wait_dma2 semaphore(%dma_wait3A_207 : memref<!tpu.dma_semaphore, #tpu.memory_space<semaphore_mem>>) src(%dma_wait3A_215 : memref<128x64xf32, #tpu.memory_space<vmem>>) dst(%dma_wait3A_211 : memref<128x64xf32, #tpu.memory_space<hbm>>)
    %add3A_216 = arith.constant 2 : i32
    %add3A_217 = arith.addi %mul3A_2, %add3A_216 : i32
    %dma_start3A_218 = arith.constant 2 : i32
    %dma_start3A_219 = arith.constant 2 : i32
    %dma_start3A_220 = arith.constant 0 : i32
    %dma_start3A_221 = arith.constant 0 : i32
    %dma_start3A_222 = tpu.memref_slice %arg6[%dma_start3A_218, %dma_start3A_220, %dma_start3A_221] : memref<8x128x64xf32, #tpu.memory_space<vmem>> -> memref<1x128x64xf32, #tpu.memory_space<vmem>>
    %dma_start3A_223 = tpu.memref_squeeze %dma_start3A_222 : memref<1x128x64xf32, #tpu.memory_space<vmem>> -> memref<128x64xf32, #tpu.memory_space<vmem>>
    %dma_start3A_224 = arith.constant 0 : i32
    %dma_start3A_225 = arith.constant 0 : i32
    %dma_start3A_226 = tpu.memref_slice %arg4[%add3A_217, %dma_start3A_224, %dma_start3A_225] : memref<6400x128x64xf32, #tpu.memory_space<hbm>> -> memref<1x128x64xf32, #tpu.memory_space<hbm>>
    %dma_start3A_227 = tpu.memref_squeeze %dma_start3A_226 : memref<1x128x64xf32, #tpu.memory_space<hbm>> -> memref<128x64xf32, #tpu.memory_space<hbm>>
    %dma_start3A_228 = tpu.memref_slice %arg8[%dma_start3A_219] : memref<8x!tpu.dma_semaphore, #tpu.memory_space<semaphore_mem>> -> memref<1x!tpu.dma_semaphore, #tpu.memory_space<semaphore_mem>>
    %dma_start3A_229 = tpu.memref_squeeze %dma_start3A_228 : memref<1x!tpu.dma_semaphore, #tpu.memory_space<semaphore_mem>> -> memref<!tpu.dma_semaphore, #tpu.memory_space<semaphore_mem>>
    %dma_start3A_230 = arith.constant 0 : i32
    %dma_start3A_231 = arith.constant 0 : i32
    %dma_start3A_232 = tpu.memref_slice %arg4[%add3A_217, %dma_start3A_230, %dma_start3A_231] : memref<6400x128x64xf32, #tpu.memory_space<hbm>> -> memref<1x128x64xf32, #tpu.memory_space<hbm>>
    %dma_start3A_233 = tpu.memref_squeeze %dma_start3A_232 : memref<1x128x64xf32, #tpu.memory_space<hbm>> -> memref<128x64xf32, #tpu.memory_space<hbm>>
    %dma_start3A_234 = arith.constant 0 : i32
    %dma_start3A_235 = arith.constant 0 : i32
    %dma_start3A_236 = tpu.memref_slice %arg6[%dma_start3A_218, %dma_start3A_234, %dma_start3A_235] : memref<8x128x64xf32, #tpu.memory_space<vmem>> -> memref<1x128x64xf32, #tpu.memory_space<vmem>>
    %dma_start3A_237 = tpu.memref_squeeze %dma_start3A_236 : memref<1x128x64xf32, #tpu.memory_space<vmem>> -> memref<128x64xf32, #tpu.memory_space<vmem>>
    tpu.enqueue_dma source(%dma_start3A_237 : memref<128x64xf32, #tpu.memory_space<vmem>>) target(%dma_start3A_233 : memref<128x64xf32, #tpu.memory_space<hbm>>) target_semaphore(%dma_start3A_229 : memref<!tpu.dma_semaphore, #tpu.memory_space<semaphore_mem>>)
    %dma_start3A_238 = arith.constant 7 : i32
    %dma_start3A_239 = arith.constant 7 : i32
    %dma_start3A_240 = arith.constant 7 : i32
    %dma_start3A_241 = arith.constant 0 : i32
    %dma_start3A_242 = arith.constant 0 : i32
    %dma_start3A_243 = tpu.memref_slice %arg6[%dma_start3A_239, %dma_start3A_241, %dma_start3A_242] : memref<8x128x64xf32, #tpu.memory_space<vmem>> -> memref<1x128x64xf32, #tpu.memory_space<vmem>>
    %dma_start3A_244 = tpu.memref_squeeze %dma_start3A_243 : memref<1x128x64xf32, #tpu.memory_space<vmem>> -> memref<128x64xf32, #tpu.memory_space<vmem>>
    %dma_start3A_245 = arith.constant 0 : i32
    %dma_start3A_246 = tpu.memref_slice %arg5[%dma_start3A_238, %dma_start3A_245] : memref<200x128xi32, #tpu.memory_space<vmem>> -> memref<1x128xi32, #tpu.memory_space<vmem>>
    %dma_start3A_247 = tpu.memref_squeeze %dma_start3A_246 : memref<1x128xi32, #tpu.memory_space<vmem>> -> memref<128xi32, #tpu.memory_space<vmem>>
    %dma_start3A_248 = arith.constant 0 : i32
    %dma_start3A_249 = arith.constant 0 : i32
    %dma_start3A_250 = tpu.memref_slice %arg3[%dma_start3A_248, %dma_start3A_249] : memref<1000000x64xf32, #tpu.memory_space<hbm>> -> memref<1000000x64xf32, #tpu.memory_space<hbm>>
    %dma_start3A_251 = tpu.memref_slice %arg7[%dma_start3A_240] : memref<8x!tpu.dma_semaphore, #tpu.memory_space<semaphore_mem>> -> memref<1x!tpu.dma_semaphore, #tpu.memory_space<semaphore_mem>>
    %dma_start3A_252 = tpu.memref_squeeze %dma_start3A_251 : memref<1x!tpu.dma_semaphore, #tpu.memory_space<semaphore_mem>> -> memref<!tpu.dma_semaphore, #tpu.memory_space<semaphore_mem>>
    tpu.enqueue_indirect_dma source(%dma_start3A_250 : memref<1000000x64xf32, #tpu.memory_space<hbm>>) target(%dma_start3A_244 : memref<128x64xf32, #tpu.memory_space<vmem>>) offsets(%dma_start3A_247 : memref<128xi32, #tpu.memory_space<vmem>>) semaphore(%dma_start3A_252 : memref<!tpu.dma_semaphore, #tpu.memory_space<semaphore_mem>>)
    %add3A_253 = arith.constant 3 : i32
    %add3A_254 = arith.addi %mul3A_2, %add3A_253 : i32
    %dma_wait3A_255 = arith.constant 3 : i32
    %dma_wait3A_256 = arith.constant 3 : i32
    %dma_wait3A_257 = arith.constant 0 : i32
    %dma_wait3A_258 = arith.constant 0 : i32
    %dma_wait3A_259 = tpu.memref_slice %arg6[%dma_wait3A_255, %dma_wait3A_257, %dma_wait3A_258] : memref<8x128x64xf32, #tpu.memory_space<vmem>> -> memref<1x128x64xf32, #tpu.memory_space<vmem>>
    %dma_wait3A_260 = tpu.memref_squeeze %dma_wait3A_259 : memref<1x128x64xf32, #tpu.memory_space<vmem>> -> memref<128x64xf32, #tpu.memory_space<vmem>>
    %dma_wait3A_261 = arith.constant 0 : i32
    %dma_wait3A_262 = arith.constant 0 : i32
    %dma_wait3A_263 = tpu.memref_slice %arg4[%add3A_254, %dma_wait3A_261, %dma_wait3A_262] : memref<6400x128x64xf32, #tpu.memory_space<hbm>> -> memref<1x128x64xf32, #tpu.memory_space<hbm>>
    %dma_wait3A_264 = tpu.memref_squeeze %dma_wait3A_263 : memref<1x128x64xf32, #tpu.memory_space<hbm>> -> memref<128x64xf32, #tpu.memory_space<hbm>>
    %dma_wait3A_265 = tpu.memref_slice %arg7[%dma_wait3A_256] : memref<8x!tpu.dma_semaphore, #tpu.memory_space<semaphore_mem>> -> memref<1x!tpu.dma_semaphore, #tpu.memory_space<semaphore_mem>>
    %dma_wait3A_266 = tpu.memref_squeeze %dma_wait3A_265 : memref<1x!tpu.dma_semaphore, #tpu.memory_space<semaphore_mem>> -> memref<!tpu.dma_semaphore, #tpu.memory_space<semaphore_mem>>
    %dma_wait3A_267 = arith.constant 0 : i32
    %dma_wait3A_268 = arith.constant 0 : i32
    %dma_wait3A_269 = tpu.memref_slice %arg4[%add3A_254, %dma_wait3A_267, %dma_wait3A_268] : memref<6400x128x64xf32, #tpu.memory_space<hbm>> -> memref<1x128x64xf32, #tpu.memory_space<hbm>>
    %dma_wait3A_270 = tpu.memref_squeeze %dma_wait3A_269 : memref<1x128x64xf32, #tpu.memory_space<hbm>> -> memref<128x64xf32, #tpu.memory_space<hbm>>
    %dma_wait3A_271 = arith.constant 0 : i32
    %dma_wait3A_272 = arith.constant 0 : i32
    %dma_wait3A_273 = tpu.memref_slice %arg6[%dma_wait3A_255, %dma_wait3A_271, %dma_wait3A_272] : memref<8x128x64xf32, #tpu.memory_space<vmem>> -> memref<1x128x64xf32, #tpu.memory_space<vmem>>
    %dma_wait3A_274 = tpu.memref_squeeze %dma_wait3A_273 : memref<1x128x64xf32, #tpu.memory_space<vmem>> -> memref<128x64xf32, #tpu.memory_space<vmem>>
    tpu.wait_dma2 semaphore(%dma_wait3A_266 : memref<!tpu.dma_semaphore, #tpu.memory_space<semaphore_mem>>) src(%dma_wait3A_274 : memref<128x64xf32, #tpu.memory_space<vmem>>) dst(%dma_wait3A_270 : memref<128x64xf32, #tpu.memory_space<hbm>>)
    %add3A_275 = arith.constant 3 : i32
    %add3A_276 = arith.addi %mul3A_2, %add3A_275 : i32
    %dma_start3A_277 = arith.constant 3 : i32
    %dma_start3A_278 = arith.constant 3 : i32
    %dma_start3A_279 = arith.constant 0 : i32
    %dma_start3A_280 = arith.constant 0 : i32
    %dma_start3A_281 = tpu.memref_slice %arg6[%dma_start3A_277, %dma_start3A_279, %dma_start3A_280] : memref<8x128x64xf32, #tpu.memory_space<vmem>> -> memref<1x128x64xf32, #tpu.memory_space<vmem>>
    %dma_start3A_282 = tpu.memref_squeeze %dma_start3A_281 : memref<1x128x64xf32, #tpu.memory_space<vmem>> -> memref<128x64xf32, #tpu.memory_space<vmem>>
    %dma_start3A_283 = arith.constant 0 : i32
    %dma_start3A_284 = arith.constant 0 : i32
    %dma_start3A_285 = tpu.memref_slice %arg4[%add3A_276, %dma_start3A_283, %dma_start3A_284] : memref<6400x128x64xf32, #tpu.memory_space<hbm>> -> memref<1x128x64xf32, #tpu.memory_space<hbm>>
    %dma_start3A_286 = tpu.memref_squeeze %dma_start3A_285 : memref<1x128x64xf32, #tpu.memory_space<hbm>> -> memref<128x64xf32, #tpu.memory_space<hbm>>
    %dma_start3A_287 = tpu.memref_slice %arg8[%dma_start3A_278] : memref<8x!tpu.dma_semaphore, #tpu.memory_space<semaphore_mem>> -> memref<1x!tpu.dma_semaphore, #tpu.memory_space<semaphore_mem>>
    %dma_start3A_288 = tpu.memref_squeeze %dma_start3A_287 : memref<1x!tpu.dma_semaphore, #tpu.memory_space<semaphore_mem>> -> memref<!tpu.dma_semaphore, #tpu.memory_space<semaphore_mem>>
    %dma_start3A_289 = arith.constant 0 : i32
    %dma_start3A_290 = arith.constant 0 : i32
    %dma_start3A_291 = tpu.memref_slice %arg4[%add3A_276, %dma_start3A_289, %dma_start3A_290] : memref<6400x128x64xf32, #tpu.memory_space<hbm>> -> memref<1x128x64xf32, #tpu.memory_space<hbm>>
    %dma_start3A_292 = tpu.memref_squeeze %dma_start3A_291 : memref<1x128x64xf32, #tpu.memory_space<hbm>> -> memref<128x64xf32, #tpu.memory_space<hbm>>
    %dma_start3A_293 = arith.constant 0 : i32
    %dma_start3A_294 = arith.constant 0 : i32
    %dma_start3A_295 = tpu.memref_slice %arg6[%dma_start3A_277, %dma_start3A_293, %dma_start3A_294] : memref<8x128x64xf32, #tpu.memory_space<vmem>> -> memref<1x128x64xf32, #tpu.memory_space<vmem>>
    %dma_start3A_296 = tpu.memref_squeeze %dma_start3A_295 : memref<1x128x64xf32, #tpu.memory_space<vmem>> -> memref<128x64xf32, #tpu.memory_space<vmem>>
    tpu.enqueue_dma source(%dma_start3A_296 : memref<128x64xf32, #tpu.memory_space<vmem>>) target(%dma_start3A_292 : memref<128x64xf32, #tpu.memory_space<hbm>>) target_semaphore(%dma_start3A_288 : memref<!tpu.dma_semaphore, #tpu.memory_space<semaphore_mem>>)
    %scan3A = arith.constant 0 : i32
    %scan3A_297 = arith.constant 1 : i32
    %scan3A_298 = arith.constant 24 : i32
    %scan3A_299 = arith.addi %scan3A_297, %scan3A_298 : i32
    %scan3A_300 = arith.constant 1 : i32
    scf.for %scan3A_646 = %scan3A_297 to %scan3A_299 step %scan3A_300  : i32 {
      %mul3A_647 = arith.constant 8 : i32
      %mul3A_648 = arith.muli %scan3A_646, %mul3A_647 : i32
      %add3A_649 = arith.constant 0 : i32
      %add3A_650 = arith.addi %mul3A_648, %add3A_649 : i32
      %dma_wait3A_651 = arith.constant 0 : i32
      %dma_wait3A_652 = arith.constant 0 : i32
      %dma_wait3A_653 = arith.constant 0 : i32
      %dma_wait3A_654 = arith.constant 0 : i32
      %dma_wait3A_655 = arith.constant 0 : i32
      %dma_wait3A_656 = tpu.memref_slice %arg6[%dma_wait3A_651, %dma_wait3A_654, %dma_wait3A_655] : memref<8x128x64xf32, #tpu.memory_space<vmem>> -> memref<1x128x64xf32, #tpu.memory_space<vmem>>
      %dma_wait3A_657 = tpu.memref_squeeze %dma_wait3A_656 : memref<1x128x64xf32, #tpu.memory_space<vmem>> -> memref<128x64xf32, #tpu.memory_space<vmem>>
      %dma_wait3A_658 = arith.constant 0 : i32
      %dma_wait3A_659 = arith.constant 0 : i32
      %dma_wait3A_660 = tpu.memref_slice %arg4[%dma_wait3A_652, %dma_wait3A_658, %dma_wait3A_659] : memref<6400x128x64xf32, #tpu.memory_space<hbm>> -> memref<1x128x64xf32, #tpu.memory_space<hbm>>
      %dma_wait3A_661 = tpu.memref_squeeze %dma_wait3A_660 : memref<1x128x64xf32, #tpu.memory_space<hbm>> -> memref<128x64xf32, #tpu.memory_space<hbm>>
      %dma_wait3A_662 = tpu.memref_slice %arg8[%dma_wait3A_653] : memref<8x!tpu.dma_semaphore, #tpu.memory_space<semaphore_mem>> -> memref<1x!tpu.dma_semaphore, #tpu.memory_space<semaphore_mem>>
      %dma_wait3A_663 = tpu.memref_squeeze %dma_wait3A_662 : memref<1x!tpu.dma_semaphore, #tpu.memory_space<semaphore_mem>> -> memref<!tpu.dma_semaphore, #tpu.memory_space<semaphore_mem>>
      %dma_wait3A_664 = arith.constant 0 : i32
      %dma_wait3A_665 = arith.constant 0 : i32
      %dma_wait3A_666 = tpu.memref_slice %arg4[%dma_wait3A_652, %dma_wait3A_664, %dma_wait3A_665] : memref<6400x128x64xf32, #tpu.memory_space<hbm>> -> memref<1x128x64xf32, #tpu.memory_space<hbm>>
      %dma_wait3A_667 = tpu.memref_squeeze %dma_wait3A_666 : memref<1x128x64xf32, #tpu.memory_space<hbm>> -> memref<128x64xf32, #tpu.memory_space<hbm>>
      %dma_wait3A_668 = arith.constant 0 : i32
      %dma_wait3A_669 = arith.constant 0 : i32
      %dma_wait3A_670 = tpu.memref_slice %arg6[%dma_wait3A_651, %dma_wait3A_668, %dma_wait3A_669] : memref<8x128x64xf32, #tpu.memory_space<vmem>> -> memref<1x128x64xf32, #tpu.memory_space<vmem>>
      %dma_wait3A_671 = tpu.memref_squeeze %dma_wait3A_670 : memref<1x128x64xf32, #tpu.memory_space<vmem>> -> memref<128x64xf32, #tpu.memory_space<vmem>>
      tpu.wait_dma2 semaphore(%dma_wait3A_663 : memref<!tpu.dma_semaphore, #tpu.memory_space<semaphore_mem>>) src(%dma_wait3A_671 : memref<128x64xf32, #tpu.memory_space<vmem>>) dst(%dma_wait3A_667 : memref<128x64xf32, #tpu.memory_space<hbm>>)
      %dma_start3A_672 = arith.constant 0 : i32
      %dma_start3A_673 = arith.constant 0 : i32
      %dma_start3A_674 = arith.constant 0 : i32
      %dma_start3A_675 = arith.constant 0 : i32
      %dma_start3A_676 = tpu.memref_slice %arg6[%dma_start3A_672, %dma_start3A_674, %dma_start3A_675] : memref<8x128x64xf32, #tpu.memory_space<vmem>> -> memref<1x128x64xf32, #tpu.memory_space<vmem>>
      %dma_start3A_677 = tpu.memref_squeeze %dma_start3A_676 : memref<1x128x64xf32, #tpu.memory_space<vmem>> -> memref<128x64xf32, #tpu.memory_space<vmem>>
      %dma_start3A_678 = arith.constant 0 : i32
      %dma_start3A_679 = tpu.memref_slice %arg5[%add3A_650, %dma_start3A_678] : memref<200x128xi32, #tpu.memory_space<vmem>> -> memref<1x128xi32, #tpu.memory_space<vmem>>
      %dma_start3A_680 = tpu.memref_squeeze %dma_start3A_679 : memref<1x128xi32, #tpu.memory_space<vmem>> -> memref<128xi32, #tpu.memory_space<vmem>>
      %dma_start3A_681 = arith.constant 0 : i32
      %dma_start3A_682 = arith.constant 0 : i32
      %dma_start3A_683 = tpu.memref_slice %arg3[%dma_start3A_681, %dma_start3A_682] : memref<1000000x64xf32, #tpu.memory_space<hbm>> -> memref<1000000x64xf32, #tpu.memory_space<hbm>>
      %dma_start3A_684 = tpu.memref_slice %arg7[%dma_start3A_673] : memref<8x!tpu.dma_semaphore, #tpu.memory_space<semaphore_mem>> -> memref<1x!tpu.dma_semaphore, #tpu.memory_space<semaphore_mem>>
      %dma_start3A_685 = tpu.memref_squeeze %dma_start3A_684 : memref<1x!tpu.dma_semaphore, #tpu.memory_space<semaphore_mem>> -> memref<!tpu.dma_semaphore, #tpu.memory_space<semaphore_mem>>
      tpu.enqueue_indirect_dma source(%dma_start3A_683 : memref<1000000x64xf32, #tpu.memory_space<hbm>>) target(%dma_start3A_677 : memref<128x64xf32, #tpu.memory_space<vmem>>) offsets(%dma_start3A_680 : memref<128xi32, #tpu.memory_space<vmem>>) semaphore(%dma_start3A_685 : memref<!tpu.dma_semaphore, #tpu.memory_space<semaphore_mem>>)
      %sub3A = arith.constant 4 : i32
      %sub3A_686 = arith.subi %add3A_650, %sub3A : i32
      %add3A_687 = arith.addi %mul3A_2, %sub3A_686 : i32
      %dma_wait3A_688 = arith.constant 4 : i32
      %dma_wait3A_689 = arith.constant 4 : i32
      %dma_wait3A_690 = arith.constant 0 : i32
      %dma_wait3A_691 = arith.constant 0 : i32
      %dma_wait3A_692 = tpu.memref_slice %arg6[%dma_wait3A_688, %dma_wait3A_690, %dma_wait3A_691] : memref<8x128x64xf32, #tpu.memory_space<vmem>> -> memref<1x128x64xf32, #tpu.memory_space<vmem>>
      %dma_wait3A_693 = tpu.memref_squeeze %dma_wait3A_692 : memref<1x128x64xf32, #tpu.memory_space<vmem>> -> memref<128x64xf32, #tpu.memory_space<vmem>>
      %dma_wait3A_694 = arith.constant 0 : i32
      %dma_wait3A_695 = arith.constant 0 : i32
      %dma_wait3A_696 = tpu.memref_slice %arg4[%add3A_687, %dma_wait3A_694, %dma_wait3A_695] : memref<6400x128x64xf32, #tpu.memory_space<hbm>> -> memref<1x128x64xf32, #tpu.memory_space<hbm>>
      %dma_wait3A_697 = tpu.memref_squeeze %dma_wait3A_696 : memref<1x128x64xf32, #tpu.memory_space<hbm>> -> memref<128x64xf32, #tpu.memory_space<hbm>>
      %dma_wait3A_698 = tpu.memref_slice %arg7[%dma_wait3A_689] : memref<8x!tpu.dma_semaphore, #tpu.memory_space<semaphore_mem>> -> memref<1x!tpu.dma_semaphore, #tpu.memory_space<semaphore_mem>>
      %dma_wait3A_699 = tpu.memref_squeeze %dma_wait3A_698 : memref<1x!tpu.dma_semaphore, #tpu.memory_space<semaphore_mem>> -> memref<!tpu.dma_semaphore, #tpu.memory_space<semaphore_mem>>
      %dma_wait3A_700 = arith.constant 0 : i32
      %dma_wait3A_701 = arith.constant 0 : i32
      %dma_wait3A_702 = tpu.memref_slice %arg4[%add3A_687, %dma_wait3A_700, %dma_wait3A_701] : memref<6400x128x64xf32, #tpu.memory_space<hbm>> -> memref<1x128x64xf32, #tpu.memory_space<hbm>>
      %dma_wait3A_703 = tpu.memref_squeeze %dma_wait3A_702 : memref<1x128x64xf32, #tpu.memory_space<hbm>> -> memref<128x64xf32, #tpu.memory_space<hbm>>
      %dma_wait3A_704 = arith.constant 0 : i32
      %dma_wait3A_705 = arith.constant 0 : i32
      %dma_wait3A_706 = tpu.memref_slice %arg6[%dma_wait3A_688, %dma_wait3A_704, %dma_wait3A_705] : memref<8x128x64xf32, #tpu.memory_space<vmem>> -> memref<1x128x64xf32, #tpu.memory_space<vmem>>
      %dma_wait3A_707 = tpu.memref_squeeze %dma_wait3A_706 : memref<1x128x64xf32, #tpu.memory_space<vmem>> -> memref<128x64xf32, #tpu.memory_space<vmem>>
      tpu.wait_dma2 semaphore(%dma_wait3A_699 : memref<!tpu.dma_semaphore, #tpu.memory_space<semaphore_mem>>) src(%dma_wait3A_707 : memref<128x64xf32, #tpu.memory_space<vmem>>) dst(%dma_wait3A_703 : memref<128x64xf32, #tpu.memory_space<hbm>>)
      %add3A_708 = arith.addi %mul3A_2, %sub3A_686 : i32
      %dma_start3A_709 = arith.constant 4 : i32
      %dma_start3A_710 = arith.constant 4 : i32
      %dma_start3A_711 = arith.constant 0 : i32
      %dma_start3A_712 = arith.constant 0 : i32
      %dma_start3A_713 = tpu.memref_slice %arg6[%dma_start3A_709, %dma_start3A_711, %dma_start3A_712] : memref<8x128x64xf32, #tpu.memory_space<vmem>> -> memref<1x128x64xf32, #tpu.memory_space<vmem>>
      %dma_start3A_714 = tpu.memref_squeeze %dma_start3A_713 : memref<1x128x64xf32, #tpu.memory_space<vmem>> -> memref<128x64xf32, #tpu.memory_space<vmem>>
      %dma_start3A_715 = arith.constant 0 : i32
      %dma_start3A_716 = arith.constant 0 : i32
      %dma_start3A_717 = tpu.memref_slice %arg4[%add3A_708, %dma_start3A_715, %dma_start3A_716] : memref<6400x128x64xf32, #tpu.memory_space<hbm>> -> memref<1x128x64xf32, #tpu.memory_space<hbm>>
      %dma_start3A_718 = tpu.memref_squeeze %dma_start3A_717 : memref<1x128x64xf32, #tpu.memory_space<hbm>> -> memref<128x64xf32, #tpu.memory_space<hbm>>
      %dma_start3A_719 = tpu.memref_slice %arg8[%dma_start3A_710] : memref<8x!tpu.dma_semaphore, #tpu.memory_space<semaphore_mem>> -> memref<1x!tpu.dma_semaphore, #tpu.memory_space<semaphore_mem>>
      %dma_start3A_720 = tpu.memref_squeeze %dma_start3A_719 : memref<1x!tpu.dma_semaphore, #tpu.memory_space<semaphore_mem>> -> memref<!tpu.dma_semaphore, #tpu.memory_space<semaphore_mem>>
      %dma_start3A_721 = arith.constant 0 : i32
      %dma_start3A_722 = arith.constant 0 : i32
      %dma_start3A_723 = tpu.memref_slice %arg4[%add3A_708, %dma_start3A_721, %dma_start3A_722] : memref<6400x128x64xf32, #tpu.memory_space<hbm>> -> memref<1x128x64xf32, #tpu.memory_space<hbm>>
      %dma_start3A_724 = tpu.memref_squeeze %dma_start3A_723 : memref<1x128x64xf32, #tpu.memory_space<hbm>> -> memref<128x64xf32, #tpu.memory_space<hbm>>
      %dma_start3A_725 = arith.constant 0 : i32
      %dma_start3A_726 = arith.constant 0 : i32
      %dma_start3A_727 = tpu.memref_slice %arg6[%dma_start3A_709, %dma_start3A_725, %dma_start3A_726] : memref<8x128x64xf32, #tpu.memory_space<vmem>> -> memref<1x128x64xf32, #tpu.memory_space<vmem>>
      %dma_start3A_728 = tpu.memref_squeeze %dma_start3A_727 : memref<1x128x64xf32, #tpu.memory_space<vmem>> -> memref<128x64xf32, #tpu.memory_space<vmem>>
      tpu.enqueue_dma source(%dma_start3A_728 : memref<128x64xf32, #tpu.memory_space<vmem>>) target(%dma_start3A_724 : memref<128x64xf32, #tpu.memory_space<hbm>>) target_semaphore(%dma_start3A_720 : memref<!tpu.dma_semaphore, #tpu.memory_space<semaphore_mem>>)
      %mul3A_729 = arith.constant 8 : i32
      %mul3A_730 = arith.muli %scan3A_646, %mul3A_729 : i32
      %add3A_731 = arith.constant 1 : i32
      %add3A_732 = arith.addi %mul3A_730, %add3A_731 : i32
      %dma_wait3A_733 = arith.constant 1 : i32
      %dma_wait3A_734 = arith.constant 0 : i32
      %dma_wait3A_735 = arith.constant 1 : i32
      %dma_wait3A_736 = arith.constant 0 : i32
      %dma_wait3A_737 = arith.constant 0 : i32
      %dma_wait3A_738 = tpu.memref_slice %arg6[%dma_wait3A_733, %dma_wait3A_736, %dma_wait3A_737] : memref<8x128x64xf32, #tpu.memory_space<vmem>> -> memref<1x128x64xf32, #tpu.memory_space<vmem>>
      %dma_wait3A_739 = tpu.memref_squeeze %dma_wait3A_738 : memref<1x128x64xf32, #tpu.memory_space<vmem>> -> memref<128x64xf32, #tpu.memory_space<vmem>>
      %dma_wait3A_740 = arith.constant 0 : i32
      %dma_wait3A_741 = arith.constant 0 : i32
      %dma_wait3A_742 = tpu.memref_slice %arg4[%dma_wait3A_734, %dma_wait3A_740, %dma_wait3A_741] : memref<6400x128x64xf32, #tpu.memory_space<hbm>> -> memref<1x128x64xf32, #tpu.memory_space<hbm>>
      %dma_wait3A_743 = tpu.memref_squeeze %dma_wait3A_742 : memref<1x128x64xf32, #tpu.memory_space<hbm>> -> memref<128x64xf32, #tpu.memory_space<hbm>>
      %dma_wait3A_744 = tpu.memref_slice %arg8[%dma_wait3A_735] : memref<8x!tpu.dma_semaphore, #tpu.memory_space<semaphore_mem>> -> memref<1x!tpu.dma_semaphore, #tpu.memory_space<semaphore_mem>>
      %dma_wait3A_745 = tpu.memref_squeeze %dma_wait3A_744 : memref<1x!tpu.dma_semaphore, #tpu.memory_space<semaphore_mem>> -> memref<!tpu.dma_semaphore, #tpu.memory_space<semaphore_mem>>
      %dma_wait3A_746 = arith.constant 0 : i32
      %dma_wait3A_747 = arith.constant 0 : i32
      %dma_wait3A_748 = tpu.memref_slice %arg4[%dma_wait3A_734, %dma_wait3A_746, %dma_wait3A_747] : memref<6400x128x64xf32, #tpu.memory_space<hbm>> -> memref<1x128x64xf32, #tpu.memory_space<hbm>>
      %dma_wait3A_749 = tpu.memref_squeeze %dma_wait3A_748 : memref<1x128x64xf32, #tpu.memory_space<hbm>> -> memref<128x64xf32, #tpu.memory_space<hbm>>
      %dma_wait3A_750 = arith.constant 0 : i32
      %dma_wait3A_751 = arith.constant 0 : i32
      %dma_wait3A_752 = tpu.memref_slice %arg6[%dma_wait3A_733, %dma_wait3A_750, %dma_wait3A_751] : memref<8x128x64xf32, #tpu.memory_space<vmem>> -> memref<1x128x64xf32, #tpu.memory_space<vmem>>
      %dma_wait3A_753 = tpu.memref_squeeze %dma_wait3A_752 : memref<1x128x64xf32, #tpu.memory_space<vmem>> -> memref<128x64xf32, #tpu.memory_space<vmem>>
      tpu.wait_dma2 semaphore(%dma_wait3A_745 : memref<!tpu.dma_semaphore, #tpu.memory_space<semaphore_mem>>) src(%dma_wait3A_753 : memref<128x64xf32, #tpu.memory_space<vmem>>) dst(%dma_wait3A_749 : memref<128x64xf32, #tpu.memory_space<hbm>>)
      %dma_start3A_754 = arith.constant 1 : i32
      %dma_start3A_755 = arith.constant 1 : i32
      %dma_start3A_756 = arith.constant 0 : i32
      %dma_start3A_757 = arith.constant 0 : i32
      %dma_start3A_758 = tpu.memref_slice %arg6[%dma_start3A_754, %dma_start3A_756, %dma_start3A_757] : memref<8x128x64xf32, #tpu.memory_space<vmem>> -> memref<1x128x64xf32, #tpu.memory_space<vmem>>
      %dma_start3A_759 = tpu.memref_squeeze %dma_start3A_758 : memref<1x128x64xf32, #tpu.memory_space<vmem>> -> memref<128x64xf32, #tpu.memory_space<vmem>>
      %dma_start3A_760 = arith.constant 0 : i32
      %dma_start3A_761 = tpu.memref_slice %arg5[%add3A_732, %dma_start3A_760] : memref<200x128xi32, #tpu.memory_space<vmem>> -> memref<1x128xi32, #tpu.memory_space<vmem>>
      %dma_start3A_762 = tpu.memref_squeeze %dma_start3A_761 : memref<1x128xi32, #tpu.memory_space<vmem>> -> memref<128xi32, #tpu.memory_space<vmem>>
      %dma_start3A_763 = arith.constant 0 : i32
      %dma_start3A_764 = arith.constant 0 : i32
      %dma_start3A_765 = tpu.memref_slice %arg3[%dma_start3A_763, %dma_start3A_764] : memref<1000000x64xf32, #tpu.memory_space<hbm>> -> memref<1000000x64xf32, #tpu.memory_space<hbm>>
      %dma_start3A_766 = tpu.memref_slice %arg7[%dma_start3A_755] : memref<8x!tpu.dma_semaphore, #tpu.memory_space<semaphore_mem>> -> memref<1x!tpu.dma_semaphore, #tpu.memory_space<semaphore_mem>>
      %dma_start3A_767 = tpu.memref_squeeze %dma_start3A_766 : memref<1x!tpu.dma_semaphore, #tpu.memory_space<semaphore_mem>> -> memref<!tpu.dma_semaphore, #tpu.memory_space<semaphore_mem>>
      tpu.enqueue_indirect_dma source(%dma_start3A_765 : memref<1000000x64xf32, #tpu.memory_space<hbm>>) target(%dma_start3A_759 : memref<128x64xf32, #tpu.memory_space<vmem>>) offsets(%dma_start3A_762 : memref<128xi32, #tpu.memory_space<vmem>>) semaphore(%dma_start3A_767 : memref<!tpu.dma_semaphore, #tpu.memory_space<semaphore_mem>>)
      %sub3A_768 = arith.constant 4 : i32
      %sub3A_769 = arith.subi %add3A_732, %sub3A_768 : i32
      %add3A_770 = arith.addi %mul3A_2, %sub3A_769 : i32
      %dma_wait3A_771 = arith.constant 5 : i32
      %dma_wait3A_772 = arith.constant 5 : i32
      %dma_wait3A_773 = arith.constant 0 : i32
      %dma_wait3A_774 = arith.constant 0 : i32
      %dma_wait3A_775 = tpu.memref_slice %arg6[%dma_wait3A_771, %dma_wait3A_773, %dma_wait3A_774] : memref<8x128x64xf32, #tpu.memory_space<vmem>> -> memref<1x128x64xf32, #tpu.memory_space<vmem>>
      %dma_wait3A_776 = tpu.memref_squeeze %dma_wait3A_775 : memref<1x128x64xf32, #tpu.memory_space<vmem>> -> memref<128x64xf32, #tpu.memory_space<vmem>>
      %dma_wait3A_777 = arith.constant 0 : i32
      %dma_wait3A_778 = arith.constant 0 : i32
      %dma_wait3A_779 = tpu.memref_slice %arg4[%add3A_770, %dma_wait3A_777, %dma_wait3A_778] : memref<6400x128x64xf32, #tpu.memory_space<hbm>> -> memref<1x128x64xf32, #tpu.memory_space<hbm>>
      %dma_wait3A_780 = tpu.memref_squeeze %dma_wait3A_779 : memref<1x128x64xf32, #tpu.memory_space<hbm>> -> memref<128x64xf32, #tpu.memory_space<hbm>>
      %dma_wait3A_781 = tpu.memref_slice %arg7[%dma_wait3A_772] : memref<8x!tpu.dma_semaphore, #tpu.memory_space<semaphore_mem>> -> memref<1x!tpu.dma_semaphore, #tpu.memory_space<semaphore_mem>>
      %dma_wait3A_782 = tpu.memref_squeeze %dma_wait3A_781 : memref<1x!tpu.dma_semaphore, #tpu.memory_space<semaphore_mem>> -> memref<!tpu.dma_semaphore, #tpu.memory_space<semaphore_mem>>
      %dma_wait3A_783 = arith.constant 0 : i32
      %dma_wait3A_784 = arith.constant 0 : i32
      %dma_wait3A_785 = tpu.memref_slice %arg4[%add3A_770, %dma_wait3A_783, %dma_wait3A_784] : memref<6400x128x64xf32, #tpu.memory_space<hbm>> -> memref<1x128x64xf32, #tpu.memory_space<hbm>>
      %dma_wait3A_786 = tpu.memref_squeeze %dma_wait3A_785 : memref<1x128x64xf32, #tpu.memory_space<hbm>> -> memref<128x64xf32, #tpu.memory_space<hbm>>
      %dma_wait3A_787 = arith.constant 0 : i32
      %dma_wait3A_788 = arith.constant 0 : i32
      %dma_wait3A_789 = tpu.memref_slice %arg6[%dma_wait3A_771, %dma_wait3A_787, %dma_wait3A_788] : memref<8x128x64xf32, #tpu.memory_space<vmem>> -> memref<1x128x64xf32, #tpu.memory_space<vmem>>
      %dma_wait3A_790 = tpu.memref_squeeze %dma_wait3A_789 : memref<1x128x64xf32, #tpu.memory_space<vmem>> -> memref<128x64xf32, #tpu.memory_space<vmem>>
      tpu.wait_dma2 semaphore(%dma_wait3A_782 : memref<!tpu.dma_semaphore, #tpu.memory_space<semaphore_mem>>) src(%dma_wait3A_790 : memref<128x64xf32, #tpu.memory_space<vmem>>) dst(%dma_wait3A_786 : memref<128x64xf32, #tpu.memory_space<hbm>>)
      %add3A_791 = arith.addi %mul3A_2, %sub3A_769 : i32
      %dma_start3A_792 = arith.constant 5 : i32
      %dma_start3A_793 = arith.constant 5 : i32
      %dma_start3A_794 = arith.constant 0 : i32
      %dma_start3A_795 = arith.constant 0 : i32
      %dma_start3A_796 = tpu.memref_slice %arg6[%dma_start3A_792, %dma_start3A_794, %dma_start3A_795] : memref<8x128x64xf32, #tpu.memory_space<vmem>> -> memref<1x128x64xf32, #tpu.memory_space<vmem>>
      %dma_start3A_797 = tpu.memref_squeeze %dma_start3A_796 : memref<1x128x64xf32, #tpu.memory_space<vmem>> -> memref<128x64xf32, #tpu.memory_space<vmem>>
      %dma_start3A_798 = arith.constant 0 : i32
      %dma_start3A_799 = arith.constant 0 : i32
      %dma_start3A_800 = tpu.memref_slice %arg4[%add3A_791, %dma_start3A_798, %dma_start3A_799] : memref<6400x128x64xf32, #tpu.memory_space<hbm>> -> memref<1x128x64xf32, #tpu.memory_space<hbm>>
      %dma_start3A_801 = tpu.memref_squeeze %dma_start3A_800 : memref<1x128x64xf32, #tpu.memory_space<hbm>> -> memref<128x64xf32, #tpu.memory_space<hbm>>
      %dma_start3A_802 = tpu.memref_slice %arg8[%dma_start3A_793] : memref<8x!tpu.dma_semaphore, #tpu.memory_space<semaphore_mem>> -> memref<1x!tpu.dma_semaphore, #tpu.memory_space<semaphore_mem>>
      %dma_start3A_803 = tpu.memref_squeeze %dma_start3A_802 : memref<1x!tpu.dma_semaphore, #tpu.memory_space<semaphore_mem>> -> memref<!tpu.dma_semaphore, #tpu.memory_space<semaphore_mem>>
      %dma_start3A_804 = arith.constant 0 : i32
      %dma_start3A_805 = arith.constant 0 : i32
      %dma_start3A_806 = tpu.memref_slice %arg4[%add3A_791, %dma_start3A_804, %dma_start3A_805] : memref<6400x128x64xf32, #tpu.memory_space<hbm>> -> memref<1x128x64xf32, #tpu.memory_space<hbm>>
      %dma_start3A_807 = tpu.memref_squeeze %dma_start3A_806 : memref<1x128x64xf32, #tpu.memory_space<hbm>> -> memref<128x64xf32, #tpu.memory_space<hbm>>
      %dma_start3A_808 = arith.constant 0 : i32
      %dma_start3A_809 = arith.constant 0 : i32
      %dma_start3A_810 = tpu.memref_slice %arg6[%dma_start3A_792, %dma_start3A_808, %dma_start3A_809] : memref<8x128x64xf32, #tpu.memory_space<vmem>> -> memref<1x128x64xf32, #tpu.memory_space<vmem>>
      %dma_start3A_811 = tpu.memref_squeeze %dma_start3A_810 : memref<1x128x64xf32, #tpu.memory_space<vmem>> -> memref<128x64xf32, #tpu.memory_space<vmem>>
      tpu.enqueue_dma source(%dma_start3A_811 : memref<128x64xf32, #tpu.memory_space<vmem>>) target(%dma_start3A_807 : memref<128x64xf32, #tpu.memory_space<hbm>>) target_semaphore(%dma_start3A_803 : memref<!tpu.dma_semaphore, #tpu.memory_space<semaphore_mem>>)
      %mul3A_812 = arith.constant 8 : i32
      %mul3A_813 = arith.muli %scan3A_646, %mul3A_812 : i32
      %add3A_814 = arith.constant 2 : i32
      %add3A_815 = arith.addi %mul3A_813, %add3A_814 : i32
      %dma_wait3A_816 = arith.constant 2 : i32
      %dma_wait3A_817 = arith.constant 0 : i32
      %dma_wait3A_818 = arith.constant 2 : i32
      %dma_wait3A_819 = arith.constant 0 : i32
      %dma_wait3A_820 = arith.constant 0 : i32
      %dma_wait3A_821 = tpu.memref_slice %arg6[%dma_wait3A_816, %dma_wait3A_819, %dma_wait3A_820] : memref<8x128x64xf32, #tpu.memory_space<vmem>> -> memref<1x128x64xf32, #tpu.memory_space<vmem>>
      %dma_wait3A_822 = tpu.memref_squeeze %dma_wait3A_821 : memref<1x128x64xf32, #tpu.memory_space<vmem>> -> memref<128x64xf32, #tpu.memory_space<vmem>>
      %dma_wait3A_823 = arith.constant 0 : i32
      %dma_wait3A_824 = arith.constant 0 : i32
      %dma_wait3A_825 = tpu.memref_slice %arg4[%dma_wait3A_817, %dma_wait3A_823, %dma_wait3A_824] : memref<6400x128x64xf32, #tpu.memory_space<hbm>> -> memref<1x128x64xf32, #tpu.memory_space<hbm>>
      %dma_wait3A_826 = tpu.memref_squeeze %dma_wait3A_825 : memref<1x128x64xf32, #tpu.memory_space<hbm>> -> memref<128x64xf32, #tpu.memory_space<hbm>>
      %dma_wait3A_827 = tpu.memref_slice %arg8[%dma_wait3A_818] : memref<8x!tpu.dma_semaphore, #tpu.memory_space<semaphore_mem>> -> memref<1x!tpu.dma_semaphore, #tpu.memory_space<semaphore_mem>>
      %dma_wait3A_828 = tpu.memref_squeeze %dma_wait3A_827 : memref<1x!tpu.dma_semaphore, #tpu.memory_space<semaphore_mem>> -> memref<!tpu.dma_semaphore, #tpu.memory_space<semaphore_mem>>
      %dma_wait3A_829 = arith.constant 0 : i32
      %dma_wait3A_830 = arith.constant 0 : i32
      %dma_wait3A_831 = tpu.memref_slice %arg4[%dma_wait3A_817, %dma_wait3A_829, %dma_wait3A_830] : memref<6400x128x64xf32, #tpu.memory_space<hbm>> -> memref<1x128x64xf32, #tpu.memory_space<hbm>>
      %dma_wait3A_832 = tpu.memref_squeeze %dma_wait3A_831 : memref<1x128x64xf32, #tpu.memory_space<hbm>> -> memref<128x64xf32, #tpu.memory_space<hbm>>
      %dma_wait3A_833 = arith.constant 0 : i32
      %dma_wait3A_834 = arith.constant 0 : i32
      %dma_wait3A_835 = tpu.memref_slice %arg6[%dma_wait3A_816, %dma_wait3A_833, %dma_wait3A_834] : memref<8x128x64xf32, #tpu.memory_space<vmem>> -> memref<1x128x64xf32, #tpu.memory_space<vmem>>
      %dma_wait3A_836 = tpu.memref_squeeze %dma_wait3A_835 : memref<1x128x64xf32, #tpu.memory_space<vmem>> -> memref<128x64xf32, #tpu.memory_space<vmem>>
      tpu.wait_dma2 semaphore(%dma_wait3A_828 : memref<!tpu.dma_semaphore, #tpu.memory_space<semaphore_mem>>) src(%dma_wait3A_836 : memref<128x64xf32, #tpu.memory_space<vmem>>) dst(%dma_wait3A_832 : memref<128x64xf32, #tpu.memory_space<hbm>>)
      %dma_start3A_837 = arith.constant 2 : i32
      %dma_start3A_838 = arith.constant 2 : i32
      %dma_start3A_839 = arith.constant 0 : i32
      %dma_start3A_840 = arith.constant 0 : i32
      %dma_start3A_841 = tpu.memref_slice %arg6[%dma_start3A_837, %dma_start3A_839, %dma_start3A_840] : memref<8x128x64xf32, #tpu.memory_space<vmem>> -> memref<1x128x64xf32, #tpu.memory_space<vmem>>
      %dma_start3A_842 = tpu.memref_squeeze %dma_start3A_841 : memref<1x128x64xf32, #tpu.memory_space<vmem>> -> memref<128x64xf32, #tpu.memory_space<vmem>>
      %dma_start3A_843 = arith.constant 0 : i32
      %dma_start3A_844 = tpu.memref_slice %arg5[%add3A_815, %dma_start3A_843] : memref<200x128xi32, #tpu.memory_space<vmem>> -> memref<1x128xi32, #tpu.memory_space<vmem>>
      %dma_start3A_845 = tpu.memref_squeeze %dma_start3A_844 : memref<1x128xi32, #tpu.memory_space<vmem>> -> memref<128xi32, #tpu.memory_space<vmem>>
      %dma_start3A_846 = arith.constant 0 : i32
      %dma_start3A_847 = arith.constant 0 : i32
      %dma_start3A_848 = tpu.memref_slice %arg3[%dma_start3A_846, %dma_start3A_847] : memref<1000000x64xf32, #tpu.memory_space<hbm>> -> memref<1000000x64xf32, #tpu.memory_space<hbm>>
      %dma_start3A_849 = tpu.memref_slice %arg7[%dma_start3A_838] : memref<8x!tpu.dma_semaphore, #tpu.memory_space<semaphore_mem>> -> memref<1x!tpu.dma_semaphore, #tpu.memory_space<semaphore_mem>>
      %dma_start3A_850 = tpu.memref_squeeze %dma_start3A_849 : memref<1x!tpu.dma_semaphore, #tpu.memory_space<semaphore_mem>> -> memref<!tpu.dma_semaphore, #tpu.memory_space<semaphore_mem>>
      tpu.enqueue_indirect_dma source(%dma_start3A_848 : memref<1000000x64xf32, #tpu.memory_space<hbm>>) target(%dma_start3A_842 : memref<128x64xf32, #tpu.memory_space<vmem>>) offsets(%dma_start3A_845 : memref<128xi32, #tpu.memory_space<vmem>>) semaphore(%dma_start3A_850 : memref<!tpu.dma_semaphore, #tpu.memory_space<semaphore_mem>>)
      %sub3A_851 = arith.constant 4 : i32
      %sub3A_852 = arith.subi %add3A_815, %sub3A_851 : i32
      %add3A_853 = arith.addi %mul3A_2, %sub3A_852 : i32
      %dma_wait3A_854 = arith.constant 6 : i32
      %dma_wait3A_855 = arith.constant 6 : i32
      %dma_wait3A_856 = arith.constant 0 : i32
      %dma_wait3A_857 = arith.constant 0 : i32
      %dma_wait3A_858 = tpu.memref_slice %arg6[%dma_wait3A_854, %dma_wait3A_856, %dma_wait3A_857] : memref<8x128x64xf32, #tpu.memory_space<vmem>> -> memref<1x128x64xf32, #tpu.memory_space<vmem>>
      %dma_wait3A_859 = tpu.memref_squeeze %dma_wait3A_858 : memref<1x128x64xf32, #tpu.memory_space<vmem>> -> memref<128x64xf32, #tpu.memory_space<vmem>>
      %dma_wait3A_860 = arith.constant 0 : i32
      %dma_wait3A_861 = arith.constant 0 : i32
      %dma_wait3A_862 = tpu.memref_slice %arg4[%add3A_853, %dma_wait3A_860, %dma_wait3A_861] : memref<6400x128x64xf32, #tpu.memory_space<hbm>> -> memref<1x128x64xf32, #tpu.memory_space<hbm>>
      %dma_wait3A_863 = tpu.memref_squeeze %dma_wait3A_862 : memref<1x128x64xf32, #tpu.memory_space<hbm>> -> memref<128x64xf32, #tpu.memory_space<hbm>>
      %dma_wait3A_864 = tpu.memref_slice %arg7[%dma_wait3A_855] : memref<8x!tpu.dma_semaphore, #tpu.memory_space<semaphore_mem>> -> memref<1x!tpu.dma_semaphore, #tpu.memory_space<semaphore_mem>>
      %dma_wait3A_865 = tpu.memref_squeeze %dma_wait3A_864 : memref<1x!tpu.dma_semaphore, #tpu.memory_space<semaphore_mem>> -> memref<!tpu.dma_semaphore, #tpu.memory_space<semaphore_mem>>
      %dma_wait3A_866 = arith.constant 0 : i32
      %dma_wait3A_867 = arith.constant 0 : i32
      %dma_wait3A_868 = tpu.memref_slice %arg4[%add3A_853, %dma_wait3A_866, %dma_wait3A_867] : memref<6400x128x64xf32, #tpu.memory_space<hbm>> -> memref<1x128x64xf32, #tpu.memory_space<hbm>>
      %dma_wait3A_869 = tpu.memref_squeeze %dma_wait3A_868 : memref<1x128x64xf32, #tpu.memory_space<hbm>> -> memref<128x64xf32, #tpu.memory_space<hbm>>
      %dma_wait3A_870 = arith.constant 0 : i32
      %dma_wait3A_871 = arith.constant 0 : i32
      %dma_wait3A_872 = tpu.memref_slice %arg6[%dma_wait3A_854, %dma_wait3A_870, %dma_wait3A_871] : memref<8x128x64xf32, #tpu.memory_space<vmem>> -> memref<1x128x64xf32, #tpu.memory_space<vmem>>
      %dma_wait3A_873 = tpu.memref_squeeze %dma_wait3A_872 : memref<1x128x64xf32, #tpu.memory_space<vmem>> -> memref<128x64xf32, #tpu.memory_space<vmem>>
      tpu.wait_dma2 semaphore(%dma_wait3A_865 : memref<!tpu.dma_semaphore, #tpu.memory_space<semaphore_mem>>) src(%dma_wait3A_873 : memref<128x64xf32, #tpu.memory_space<vmem>>) dst(%dma_wait3A_869 : memref<128x64xf32, #tpu.memory_space<hbm>>)
      %add3A_874 = arith.addi %mul3A_2, %sub3A_852 : i32
      %dma_start3A_875 = arith.constant 6 : i32
      %dma_start3A_876 = arith.constant 6 : i32
      %dma_start3A_877 = arith.constant 0 : i32
      %dma_start3A_878 = arith.constant 0 : i32
      %dma_start3A_879 = tpu.memref_slice %arg6[%dma_start3A_875, %dma_start3A_877, %dma_start3A_878] : memref<8x128x64xf32, #tpu.memory_space<vmem>> -> memref<1x128x64xf32, #tpu.memory_space<vmem>>
      %dma_start3A_880 = tpu.memref_squeeze %dma_start3A_879 : memref<1x128x64xf32, #tpu.memory_space<vmem>> -> memref<128x64xf32, #tpu.memory_space<vmem>>
      %dma_start3A_881 = arith.constant 0 : i32
      %dma_start3A_882 = arith.constant 0 : i32
      %dma_start3A_883 = tpu.memref_slice %arg4[%add3A_874, %dma_start3A_881, %dma_start3A_882] : memref<6400x128x64xf32, #tpu.memory_space<hbm>> -> memref<1x128x64xf32, #tpu.memory_space<hbm>>
      %dma_start3A_884 = tpu.memref_squeeze %dma_start3A_883 : memref<1x128x64xf32, #tpu.memory_space<hbm>> -> memref<128x64xf32, #tpu.memory_space<hbm>>
      %dma_start3A_885 = tpu.memref_slice %arg8[%dma_start3A_876] : memref<8x!tpu.dma_semaphore, #tpu.memory_space<semaphore_mem>> -> memref<1x!tpu.dma_semaphore, #tpu.memory_space<semaphore_mem>>
      %dma_start3A_886 = tpu.memref_squeeze %dma_start3A_885 : memref<1x!tpu.dma_semaphore, #tpu.memory_space<semaphore_mem>> -> memref<!tpu.dma_semaphore, #tpu.memory_space<semaphore_mem>>
      %dma_start3A_887 = arith.constant 0 : i32
      %dma_start3A_888 = arith.constant 0 : i32
      %dma_start3A_889 = tpu.memref_slice %arg4[%add3A_874, %dma_start3A_887, %dma_start3A_888] : memref<6400x128x64xf32, #tpu.memory_space<hbm>> -> memref<1x128x64xf32, #tpu.memory_space<hbm>>
      %dma_start3A_890 = tpu.memref_squeeze %dma_start3A_889 : memref<1x128x64xf32, #tpu.memory_space<hbm>> -> memref<128x64xf32, #tpu.memory_space<hbm>>
      %dma_start3A_891 = arith.constant 0 : i32
      %dma_start3A_892 = arith.constant 0 : i32
      %dma_start3A_893 = tpu.memref_slice %arg6[%dma_start3A_875, %dma_start3A_891, %dma_start3A_892] : memref<8x128x64xf32, #tpu.memory_space<vmem>> -> memref<1x128x64xf32, #tpu.memory_space<vmem>>
      %dma_start3A_894 = tpu.memref_squeeze %dma_start3A_893 : memref<1x128x64xf32, #tpu.memory_space<vmem>> -> memref<128x64xf32, #tpu.memory_space<vmem>>
      tpu.enqueue_dma source(%dma_start3A_894 : memref<128x64xf32, #tpu.memory_space<vmem>>) target(%dma_start3A_890 : memref<128x64xf32, #tpu.memory_space<hbm>>) target_semaphore(%dma_start3A_886 : memref<!tpu.dma_semaphore, #tpu.memory_space<semaphore_mem>>)
      %mul3A_895 = arith.constant 8 : i32
      %mul3A_896 = arith.muli %scan3A_646, %mul3A_895 : i32
      %add3A_897 = arith.constant 3 : i32
      %add3A_898 = arith.addi %mul3A_896, %add3A_897 : i32
      %dma_wait3A_899 = arith.constant 3 : i32
      %dma_wait3A_900 = arith.constant 0 : i32
      %dma_wait3A_901 = arith.constant 3 : i32
      %dma_wait3A_902 = arith.constant 0 : i32
      %dma_wait3A_903 = arith.constant 0 : i32
      %dma_wait3A_904 = tpu.memref_slice %arg6[%dma_wait3A_899, %dma_wait3A_902, %dma_wait3A_903] : memref<8x128x64xf32, #tpu.memory_space<vmem>> -> memref<1x128x64xf32, #tpu.memory_space<vmem>>
      %dma_wait3A_905 = tpu.memref_squeeze %dma_wait3A_904 : memref<1x128x64xf32, #tpu.memory_space<vmem>> -> memref<128x64xf32, #tpu.memory_space<vmem>>
      %dma_wait3A_906 = arith.constant 0 : i32
      %dma_wait3A_907 = arith.constant 0 : i32
      %dma_wait3A_908 = tpu.memref_slice %arg4[%dma_wait3A_900, %dma_wait3A_906, %dma_wait3A_907] : memref<6400x128x64xf32, #tpu.memory_space<hbm>> -> memref<1x128x64xf32, #tpu.memory_space<hbm>>
      %dma_wait3A_909 = tpu.memref_squeeze %dma_wait3A_908 : memref<1x128x64xf32, #tpu.memory_space<hbm>> -> memref<128x64xf32, #tpu.memory_space<hbm>>
      %dma_wait3A_910 = tpu.memref_slice %arg8[%dma_wait3A_901] : memref<8x!tpu.dma_semaphore, #tpu.memory_space<semaphore_mem>> -> memref<1x!tpu.dma_semaphore, #tpu.memory_space<semaphore_mem>>
      %dma_wait3A_911 = tpu.memref_squeeze %dma_wait3A_910 : memref<1x!tpu.dma_semaphore, #tpu.memory_space<semaphore_mem>> -> memref<!tpu.dma_semaphore, #tpu.memory_space<semaphore_mem>>
      %dma_wait3A_912 = arith.constant 0 : i32
      %dma_wait3A_913 = arith.constant 0 : i32
      %dma_wait3A_914 = tpu.memref_slice %arg4[%dma_wait3A_900, %dma_wait3A_912, %dma_wait3A_913] : memref<6400x128x64xf32, #tpu.memory_space<hbm>> -> memref<1x128x64xf32, #tpu.memory_space<hbm>>
      %dma_wait3A_915 = tpu.memref_squeeze %dma_wait3A_914 : memref<1x128x64xf32, #tpu.memory_space<hbm>> -> memref<128x64xf32, #tpu.memory_space<hbm>>
      %dma_wait3A_916 = arith.constant 0 : i32
      %dma_wait3A_917 = arith.constant 0 : i32
      %dma_wait3A_918 = tpu.memref_slice %arg6[%dma_wait3A_899, %dma_wait3A_916, %dma_wait3A_917] : memref<8x128x64xf32, #tpu.memory_space<vmem>> -> memref<1x128x64xf32, #tpu.memory_space<vmem>>
      %dma_wait3A_919 = tpu.memref_squeeze %dma_wait3A_918 : memref<1x128x64xf32, #tpu.memory_space<vmem>> -> memref<128x64xf32, #tpu.memory_space<vmem>>
      tpu.wait_dma2 semaphore(%dma_wait3A_911 : memref<!tpu.dma_semaphore, #tpu.memory_space<semaphore_mem>>) src(%dma_wait3A_919 : memref<128x64xf32, #tpu.memory_space<vmem>>) dst(%dma_wait3A_915 : memref<128x64xf32, #tpu.memory_space<hbm>>)
      %dma_start3A_920 = arith.constant 3 : i32
      %dma_start3A_921 = arith.constant 3 : i32
      %dma_start3A_922 = arith.constant 0 : i32
      %dma_start3A_923 = arith.constant 0 : i32
      %dma_start3A_924 = tpu.memref_slice %arg6[%dma_start3A_920, %dma_start3A_922, %dma_start3A_923] : memref<8x128x64xf32, #tpu.memory_space<vmem>> -> memref<1x128x64xf32, #tpu.memory_space<vmem>>
      %dma_start3A_925 = tpu.memref_squeeze %dma_start3A_924 : memref<1x128x64xf32, #tpu.memory_space<vmem>> -> memref<128x64xf32, #tpu.memory_space<vmem>>
      %dma_start3A_926 = arith.constant 0 : i32
      %dma_start3A_927 = tpu.memref_slice %arg5[%add3A_898, %dma_start3A_926] : memref<200x128xi32, #tpu.memory_space<vmem>> -> memref<1x128xi32, #tpu.memory_space<vmem>>
      %dma_start3A_928 = tpu.memref_squeeze %dma_start3A_927 : memref<1x128xi32, #tpu.memory_space<vmem>> -> memref<128xi32, #tpu.memory_space<vmem>>
      %dma_start3A_929 = arith.constant 0 : i32
      %dma_start3A_930 = arith.constant 0 : i32
      %dma_start3A_931 = tpu.memref_slice %arg3[%dma_start3A_929, %dma_start3A_930] : memref<1000000x64xf32, #tpu.memory_space<hbm>> -> memref<1000000x64xf32, #tpu.memory_space<hbm>>
      %dma_start3A_932 = tpu.memref_slice %arg7[%dma_start3A_921] : memref<8x!tpu.dma_semaphore, #tpu.memory_space<semaphore_mem>> -> memref<1x!tpu.dma_semaphore, #tpu.memory_space<semaphore_mem>>
      %dma_start3A_933 = tpu.memref_squeeze %dma_start3A_932 : memref<1x!tpu.dma_semaphore, #tpu.memory_space<semaphore_mem>> -> memref<!tpu.dma_semaphore, #tpu.memory_space<semaphore_mem>>
      tpu.enqueue_indirect_dma source(%dma_start3A_931 : memref<1000000x64xf32, #tpu.memory_space<hbm>>) target(%dma_start3A_925 : memref<128x64xf32, #tpu.memory_space<vmem>>) offsets(%dma_start3A_928 : memref<128xi32, #tpu.memory_space<vmem>>) semaphore(%dma_start3A_933 : memref<!tpu.dma_semaphore, #tpu.memory_space<semaphore_mem>>)
      %sub3A_934 = arith.constant 4 : i32
      %sub3A_935 = arith.subi %add3A_898, %sub3A_934 : i32
      %add3A_936 = arith.addi %mul3A_2, %sub3A_935 : i32
      %dma_wait3A_937 = arith.constant 7 : i32
      %dma_wait3A_938 = arith.constant 7 : i32
      %dma_wait3A_939 = arith.constant 0 : i32
      %dma_wait3A_940 = arith.constant 0 : i32
      %dma_wait3A_941 = tpu.memref_slice %arg6[%dma_wait3A_937, %dma_wait3A_939, %dma_wait3A_940] : memref<8x128x64xf32, #tpu.memory_space<vmem>> -> memref<1x128x64xf32, #tpu.memory_space<vmem>>
      %dma_wait3A_942 = tpu.memref_squeeze %dma_wait3A_941 : memref<1x128x64xf32, #tpu.memory_space<vmem>> -> memref<128x64xf32, #tpu.memory_space<vmem>>
      %dma_wait3A_943 = arith.constant 0 : i32
      %dma_wait3A_944 = arith.constant 0 : i32
      %dma_wait3A_945 = tpu.memref_slice %arg4[%add3A_936, %dma_wait3A_943, %dma_wait3A_944] : memref<6400x128x64xf32, #tpu.memory_space<hbm>> -> memref<1x128x64xf32, #tpu.memory_space<hbm>>
      %dma_wait3A_946 = tpu.memref_squeeze %dma_wait3A_945 : memref<1x128x64xf32, #tpu.memory_space<hbm>> -> memref<128x64xf32, #tpu.memory_space<hbm>>
      %dma_wait3A_947 = tpu.memref_slice %arg7[%dma_wait3A_938] : memref<8x!tpu.dma_semaphore, #tpu.memory_space<semaphore_mem>> -> memref<1x!tpu.dma_semaphore, #tpu.memory_space<semaphore_mem>>
      %dma_wait3A_948 = tpu.memref_squeeze %dma_wait3A_947 : memref<1x!tpu.dma_semaphore, #tpu.memory_space<semaphore_mem>> -> memref<!tpu.dma_semaphore, #tpu.memory_space<semaphore_mem>>
      %dma_wait3A_949 = arith.constant 0 : i32
      %dma_wait3A_950 = arith.constant 0 : i32
      %dma_wait3A_951 = tpu.memref_slice %arg4[%add3A_936, %dma_wait3A_949, %dma_wait3A_950] : memref<6400x128x64xf32, #tpu.memory_space<hbm>> -> memref<1x128x64xf32, #tpu.memory_space<hbm>>
      %dma_wait3A_952 = tpu.memref_squeeze %dma_wait3A_951 : memref<1x128x64xf32, #tpu.memory_space<hbm>> -> memref<128x64xf32, #tpu.memory_space<hbm>>
      %dma_wait3A_953 = arith.constant 0 : i32
      %dma_wait3A_954 = arith.constant 0 : i32
      %dma_wait3A_955 = tpu.memref_slice %arg6[%dma_wait3A_937, %dma_wait3A_953, %dma_wait3A_954] : memref<8x128x64xf32, #tpu.memory_space<vmem>> -> memref<1x128x64xf32, #tpu.memory_space<vmem>>
      %dma_wait3A_956 = tpu.memref_squeeze %dma_wait3A_955 : memref<1x128x64xf32, #tpu.memory_space<vmem>> -> memref<128x64xf32, #tpu.memory_space<vmem>>
      tpu.wait_dma2 semaphore(%dma_wait3A_948 : memref<!tpu.dma_semaphore, #tpu.memory_space<semaphore_mem>>) src(%dma_wait3A_956 : memref<128x64xf32, #tpu.memory_space<vmem>>) dst(%dma_wait3A_952 : memref<128x64xf32, #tpu.memory_space<hbm>>)
      %add3A_957 = arith.addi %mul3A_2, %sub3A_935 : i32
      %dma_start3A_958 = arith.constant 7 : i32
      %dma_start3A_959 = arith.constant 7 : i32
      %dma_start3A_960 = arith.constant 0 : i32
      %dma_start3A_961 = arith.constant 0 : i32
      %dma_start3A_962 = tpu.memref_slice %arg6[%dma_start3A_958, %dma_start3A_960, %dma_start3A_961] : memref<8x128x64xf32, #tpu.memory_space<vmem>> -> memref<1x128x64xf32, #tpu.memory_space<vmem>>
      %dma_start3A_963 = tpu.memref_squeeze %dma_start3A_962 : memref<1x128x64xf32, #tpu.memory_space<vmem>> -> memref<128x64xf32, #tpu.memory_space<vmem>>
      %dma_start3A_964 = arith.constant 0 : i32
      %dma_start3A_965 = arith.constant 0 : i32
      %dma_start3A_966 = tpu.memref_slice %arg4[%add3A_957, %dma_start3A_964, %dma_start3A_965] : memref<6400x128x64xf32, #tpu.memory_space<hbm>> -> memref<1x128x64xf32, #tpu.memory_space<hbm>>
      %dma_start3A_967 = tpu.memref_squeeze %dma_start3A_966 : memref<1x128x64xf32, #tpu.memory_space<hbm>> -> memref<128x64xf32, #tpu.memory_space<hbm>>
      %dma_start3A_968 = tpu.memref_slice %arg8[%dma_start3A_959] : memref<8x!tpu.dma_semaphore, #tpu.memory_space<semaphore_mem>> -> memref<1x!tpu.dma_semaphore, #tpu.memory_space<semaphore_mem>>
      %dma_start3A_969 = tpu.memref_squeeze %dma_start3A_968 : memref<1x!tpu.dma_semaphore, #tpu.memory_space<semaphore_mem>> -> memref<!tpu.dma_semaphore, #tpu.memory_space<semaphore_mem>>
      %dma_start3A_970 = arith.constant 0 : i32
      %dma_start3A_971 = arith.constant 0 : i32
      %dma_start3A_972 = tpu.memref_slice %arg4[%add3A_957, %dma_start3A_970, %dma_start3A_971] : memref<6400x128x64xf32, #tpu.memory_space<hbm>> -> memref<1x128x64xf32, #tpu.memory_space<hbm>>
      %dma_start3A_973 = tpu.memref_squeeze %dma_start3A_972 : memref<1x128x64xf32, #tpu.memory_space<hbm>> -> memref<128x64xf32, #tpu.memory_space<hbm>>
      %dma_start3A_974 = arith.constant 0 : i32
      %dma_start3A_975 = arith.constant 0 : i32
      %dma_start3A_976 = tpu.memref_slice %arg6[%dma_start3A_958, %dma_start3A_974, %dma_start3A_975] : memref<8x128x64xf32, #tpu.memory_space<vmem>> -> memref<1x128x64xf32, #tpu.memory_space<vmem>>
      %dma_start3A_977 = tpu.memref_squeeze %dma_start3A_976 : memref<1x128x64xf32, #tpu.memory_space<vmem>> -> memref<128x64xf32, #tpu.memory_space<vmem>>
      tpu.enqueue_dma source(%dma_start3A_977 : memref<128x64xf32, #tpu.memory_space<vmem>>) target(%dma_start3A_973 : memref<128x64xf32, #tpu.memory_space<hbm>>) target_semaphore(%dma_start3A_969 : memref<!tpu.dma_semaphore, #tpu.memory_space<semaphore_mem>>)
      %mul3A_978 = arith.constant 8 : i32
      %mul3A_979 = arith.muli %scan3A_646, %mul3A_978 : i32
      %add3A_980 = arith.constant 4 : i32
      %add3A_981 = arith.addi %mul3A_979, %add3A_980 : i32
      %dma_wait3A_982 = arith.constant 4 : i32
      %dma_wait3A_983 = arith.constant 0 : i32
      %dma_wait3A_984 = arith.constant 4 : i32
      %dma_wait3A_985 = arith.constant 0 : i32
      %dma_wait3A_986 = arith.constant 0 : i32
      %dma_wait3A_987 = tpu.memref_slice %arg6[%dma_wait3A_982, %dma_wait3A_985, %dma_wait3A_986] : memref<8x128x64xf32, #tpu.memory_space<vmem>> -> memref<1x128x64xf32, #tpu.memory_space<vmem>>
      %dma_wait3A_988 = tpu.memref_squeeze %dma_wait3A_987 : memref<1x128x64xf32, #tpu.memory_space<vmem>> -> memref<128x64xf32, #tpu.memory_space<vmem>>
      %dma_wait3A_989 = arith.constant 0 : i32
      %dma_wait3A_990 = arith.constant 0 : i32
      %dma_wait3A_991 = tpu.memref_slice %arg4[%dma_wait3A_983, %dma_wait3A_989, %dma_wait3A_990] : memref<6400x128x64xf32, #tpu.memory_space<hbm>> -> memref<1x128x64xf32, #tpu.memory_space<hbm>>
      %dma_wait3A_992 = tpu.memref_squeeze %dma_wait3A_991 : memref<1x128x64xf32, #tpu.memory_space<hbm>> -> memref<128x64xf32, #tpu.memory_space<hbm>>
      %dma_wait3A_993 = tpu.memref_slice %arg8[%dma_wait3A_984] : memref<8x!tpu.dma_semaphore, #tpu.memory_space<semaphore_mem>> -> memref<1x!tpu.dma_semaphore, #tpu.memory_space<semaphore_mem>>
      %dma_wait3A_994 = tpu.memref_squeeze %dma_wait3A_993 : memref<1x!tpu.dma_semaphore, #tpu.memory_space<semaphore_mem>> -> memref<!tpu.dma_semaphore, #tpu.memory_space<semaphore_mem>>
      %dma_wait3A_995 = arith.constant 0 : i32
      %dma_wait3A_996 = arith.constant 0 : i32
      %dma_wait3A_997 = tpu.memref_slice %arg4[%dma_wait3A_983, %dma_wait3A_995, %dma_wait3A_996] : memref<6400x128x64xf32, #tpu.memory_space<hbm>> -> memref<1x128x64xf32, #tpu.memory_space<hbm>>
      %dma_wait3A_998 = tpu.memref_squeeze %dma_wait3A_997 : memref<1x128x64xf32, #tpu.memory_space<hbm>> -> memref<128x64xf32, #tpu.memory_space<hbm>>
      %dma_wait3A_999 = arith.constant 0 : i32
      %dma_wait3A_1000 = arith.constant 0 : i32
      %dma_wait3A_1001 = tpu.memref_slice %arg6[%dma_wait3A_982, %dma_wait3A_999, %dma_wait3A_1000] : memref<8x128x64xf32, #tpu.memory_space<vmem>> -> memref<1x128x64xf32, #tpu.memory_space<vmem>>
      %dma_wait3A_1002 = tpu.memref_squeeze %dma_wait3A_1001 : memref<1x128x64xf32, #tpu.memory_space<vmem>> -> memref<128x64xf32, #tpu.memory_space<vmem>>
      tpu.wait_dma2 semaphore(%dma_wait3A_994 : memref<!tpu.dma_semaphore, #tpu.memory_space<semaphore_mem>>) src(%dma_wait3A_1002 : memref<128x64xf32, #tpu.memory_space<vmem>>) dst(%dma_wait3A_998 : memref<128x64xf32, #tpu.memory_space<hbm>>)
      %dma_start3A_1003 = arith.constant 4 : i32
      %dma_start3A_1004 = arith.constant 4 : i32
      %dma_start3A_1005 = arith.constant 0 : i32
      %dma_start3A_1006 = arith.constant 0 : i32
      %dma_start3A_1007 = tpu.memref_slice %arg6[%dma_start3A_1003, %dma_start3A_1005, %dma_start3A_1006] : memref<8x128x64xf32, #tpu.memory_space<vmem>> -> memref<1x128x64xf32, #tpu.memory_space<vmem>>
      %dma_start3A_1008 = tpu.memref_squeeze %dma_start3A_1007 : memref<1x128x64xf32, #tpu.memory_space<vmem>> -> memref<128x64xf32, #tpu.memory_space<vmem>>
      %dma_start3A_1009 = arith.constant 0 : i32
      %dma_start3A_1010 = tpu.memref_slice %arg5[%add3A_981, %dma_start3A_1009] : memref<200x128xi32, #tpu.memory_space<vmem>> -> memref<1x128xi32, #tpu.memory_space<vmem>>
      %dma_start3A_1011 = tpu.memref_squeeze %dma_start3A_1010 : memref<1x128xi32, #tpu.memory_space<vmem>> -> memref<128xi32, #tpu.memory_space<vmem>>
      %dma_start3A_1012 = arith.constant 0 : i32
      %dma_start3A_1013 = arith.constant 0 : i32
      %dma_start3A_1014 = tpu.memref_slice %arg3[%dma_start3A_1012, %dma_start3A_1013] : memref<1000000x64xf32, #tpu.memory_space<hbm>> -> memref<1000000x64xf32, #tpu.memory_space<hbm>>
      %dma_start3A_1015 = tpu.memref_slice %arg7[%dma_start3A_1004] : memref<8x!tpu.dma_semaphore, #tpu.memory_space<semaphore_mem>> -> memref<1x!tpu.dma_semaphore, #tpu.memory_space<semaphore_mem>>
      %dma_start3A_1016 = tpu.memref_squeeze %dma_start3A_1015 : memref<1x!tpu.dma_semaphore, #tpu.memory_space<semaphore_mem>> -> memref<!tpu.dma_semaphore, #tpu.memory_space<semaphore_mem>>
      tpu.enqueue_indirect_dma source(%dma_start3A_1014 : memref<1000000x64xf32, #tpu.memory_space<hbm>>) target(%dma_start3A_1008 : memref<128x64xf32, #tpu.memory_space<vmem>>) offsets(%dma_start3A_1011 : memref<128xi32, #tpu.memory_space<vmem>>) semaphore(%dma_start3A_1016 : memref<!tpu.dma_semaphore, #tpu.memory_space<semaphore_mem>>)
      %sub3A_1017 = arith.constant 4 : i32
      %sub3A_1018 = arith.subi %add3A_981, %sub3A_1017 : i32
      %add3A_1019 = arith.addi %mul3A_2, %sub3A_1018 : i32
      %dma_wait3A_1020 = arith.constant 0 : i32
      %dma_wait3A_1021 = arith.constant 0 : i32
      %dma_wait3A_1022 = arith.constant 0 : i32
      %dma_wait3A_1023 = arith.constant 0 : i32
      %dma_wait3A_1024 = tpu.memref_slice %arg6[%dma_wait3A_1020, %dma_wait3A_1022, %dma_wait3A_1023] : memref<8x128x64xf32, #tpu.memory_space<vmem>> -> memref<1x128x64xf32, #tpu.memory_space<vmem>>
      %dma_wait3A_1025 = tpu.memref_squeeze %dma_wait3A_1024 : memref<1x128x64xf32, #tpu.memory_space<vmem>> -> memref<128x64xf32, #tpu.memory_space<vmem>>
      %dma_wait3A_1026 = arith.constant 0 : i32
      %dma_wait3A_1027 = arith.constant 0 : i32
      %dma_wait3A_1028 = tpu.memref_slice %arg4[%add3A_1019, %dma_wait3A_1026, %dma_wait3A_1027] : memref<6400x128x64xf32, #tpu.memory_space<hbm>> -> memref<1x128x64xf32, #tpu.memory_space<hbm>>
      %dma_wait3A_1029 = tpu.memref_squeeze %dma_wait3A_1028 : memref<1x128x64xf32, #tpu.memory_space<hbm>> -> memref<128x64xf32, #tpu.memory_space<hbm>>
      %dma_wait3A_1030 = tpu.memref_slice %arg7[%dma_wait3A_1021] : memref<8x!tpu.dma_semaphore, #tpu.memory_space<semaphore_mem>> -> memref<1x!tpu.dma_semaphore, #tpu.memory_space<semaphore_mem>>
      %dma_wait3A_1031 = tpu.memref_squeeze %dma_wait3A_1030 : memref<1x!tpu.dma_semaphore, #tpu.memory_space<semaphore_mem>> -> memref<!tpu.dma_semaphore, #tpu.memory_space<semaphore_mem>>
      %dma_wait3A_1032 = arith.constant 0 : i32
      %dma_wait3A_1033 = arith.constant 0 : i32
      %dma_wait3A_1034 = tpu.memref_slice %arg4[%add3A_1019, %dma_wait3A_1032, %dma_wait3A_1033] : memref<6400x128x64xf32, #tpu.memory_space<hbm>> -> memref<1x128x64xf32, #tpu.memory_space<hbm>>
      %dma_wait3A_1035 = tpu.memref_squeeze %dma_wait3A_1034 : memref<1x128x64xf32, #tpu.memory_space<hbm>> -> memref<128x64xf32, #tpu.memory_space<hbm>>
      %dma_wait3A_1036 = arith.constant 0 : i32
      %dma_wait3A_1037 = arith.constant 0 : i32
      %dma_wait3A_1038 = tpu.memref_slice %arg6[%dma_wait3A_1020, %dma_wait3A_1036, %dma_wait3A_1037] : memref<8x128x64xf32, #tpu.memory_space<vmem>> -> memref<1x128x64xf32, #tpu.memory_space<vmem>>
      %dma_wait3A_1039 = tpu.memref_squeeze %dma_wait3A_1038 : memref<1x128x64xf32, #tpu.memory_space<vmem>> -> memref<128x64xf32, #tpu.memory_space<vmem>>
      tpu.wait_dma2 semaphore(%dma_wait3A_1031 : memref<!tpu.dma_semaphore, #tpu.memory_space<semaphore_mem>>) src(%dma_wait3A_1039 : memref<128x64xf32, #tpu.memory_space<vmem>>) dst(%dma_wait3A_1035 : memref<128x64xf32, #tpu.memory_space<hbm>>)
      %add3A_1040 = arith.addi %mul3A_2, %sub3A_1018 : i32
      %dma_start3A_1041 = arith.constant 0 : i32
      %dma_start3A_1042 = arith.constant 0 : i32
      %dma_start3A_1043 = arith.constant 0 : i32
      %dma_start3A_1044 = arith.constant 0 : i32
      %dma_start3A_1045 = tpu.memref_slice %arg6[%dma_start3A_1041, %dma_start3A_1043, %dma_start3A_1044] : memref<8x128x64xf32, #tpu.memory_space<vmem>> -> memref<1x128x64xf32, #tpu.memory_space<vmem>>
      %dma_start3A_1046 = tpu.memref_squeeze %dma_start3A_1045 : memref<1x128x64xf32, #tpu.memory_space<vmem>> -> memref<128x64xf32, #tpu.memory_space<vmem>>
      %dma_start3A_1047 = arith.constant 0 : i32
      %dma_start3A_1048 = arith.constant 0 : i32
      %dma_start3A_1049 = tpu.memref_slice %arg4[%add3A_1040, %dma_start3A_1047, %dma_start3A_1048] : memref<6400x128x64xf32, #tpu.memory_space<hbm>> -> memref<1x128x64xf32, #tpu.memory_space<hbm>>
      %dma_start3A_1050 = tpu.memref_squeeze %dma_start3A_1049 : memref<1x128x64xf32, #tpu.memory_space<hbm>> -> memref<128x64xf32, #tpu.memory_space<hbm>>
      %dma_start3A_1051 = tpu.memref_slice %arg8[%dma_start3A_1042] : memref<8x!tpu.dma_semaphore, #tpu.memory_space<semaphore_mem>> -> memref<1x!tpu.dma_semaphore, #tpu.memory_space<semaphore_mem>>
      %dma_start3A_1052 = tpu.memref_squeeze %dma_start3A_1051 : memref<1x!tpu.dma_semaphore, #tpu.memory_space<semaphore_mem>> -> memref<!tpu.dma_semaphore, #tpu.memory_space<semaphore_mem>>
      %dma_start3A_1053 = arith.constant 0 : i32
      %dma_start3A_1054 = arith.constant 0 : i32
      %dma_start3A_1055 = tpu.memref_slice %arg4[%add3A_1040, %dma_start3A_1053, %dma_start3A_1054] : memref<6400x128x64xf32, #tpu.memory_space<hbm>> -> memref<1x128x64xf32, #tpu.memory_space<hbm>>
      %dma_start3A_1056 = tpu.memref_squeeze %dma_start3A_1055 : memref<1x128x64xf32, #tpu.memory_space<hbm>> -> memref<128x64xf32, #tpu.memory_space<hbm>>
      %dma_start3A_1057 = arith.constant 0 : i32
      %dma_start3A_1058 = arith.constant 0 : i32
      %dma_start3A_1059 = tpu.memref_slice %arg6[%dma_start3A_1041, %dma_start3A_1057, %dma_start3A_1058] : memref<8x128x64xf32, #tpu.memory_space<vmem>> -> memref<1x128x64xf32, #tpu.memory_space<vmem>>
      %dma_start3A_1060 = tpu.memref_squeeze %dma_start3A_1059 : memref<1x128x64xf32, #tpu.memory_space<vmem>> -> memref<128x64xf32, #tpu.memory_space<vmem>>
      tpu.enqueue_dma source(%dma_start3A_1060 : memref<128x64xf32, #tpu.memory_space<vmem>>) target(%dma_start3A_1056 : memref<128x64xf32, #tpu.memory_space<hbm>>) target_semaphore(%dma_start3A_1052 : memref<!tpu.dma_semaphore, #tpu.memory_space<semaphore_mem>>)
      %mul3A_1061 = arith.constant 8 : i32
      %mul3A_1062 = arith.muli %scan3A_646, %mul3A_1061 : i32
      %add3A_1063 = arith.constant 5 : i32
      %add3A_1064 = arith.addi %mul3A_1062, %add3A_1063 : i32
      %dma_wait3A_1065 = arith.constant 5 : i32
      %dma_wait3A_1066 = arith.constant 0 : i32
      %dma_wait3A_1067 = arith.constant 5 : i32
      %dma_wait3A_1068 = arith.constant 0 : i32
      %dma_wait3A_1069 = arith.constant 0 : i32
      %dma_wait3A_1070 = tpu.memref_slice %arg6[%dma_wait3A_1065, %dma_wait3A_1068, %dma_wait3A_1069] : memref<8x128x64xf32, #tpu.memory_space<vmem>> -> memref<1x128x64xf32, #tpu.memory_space<vmem>>
      %dma_wait3A_1071 = tpu.memref_squeeze %dma_wait3A_1070 : memref<1x128x64xf32, #tpu.memory_space<vmem>> -> memref<128x64xf32, #tpu.memory_space<vmem>>
      %dma_wait3A_1072 = arith.constant 0 : i32
      %dma_wait3A_1073 = arith.constant 0 : i32
      %dma_wait3A_1074 = tpu.memref_slice %arg4[%dma_wait3A_1066, %dma_wait3A_1072, %dma_wait3A_1073] : memref<6400x128x64xf32, #tpu.memory_space<hbm>> -> memref<1x128x64xf32, #tpu.memory_space<hbm>>
      %dma_wait3A_1075 = tpu.memref_squeeze %dma_wait3A_1074 : memref<1x128x64xf32, #tpu.memory_space<hbm>> -> memref<128x64xf32, #tpu.memory_space<hbm>>
      %dma_wait3A_1076 = tpu.memref_slice %arg8[%dma_wait3A_1067] : memref<8x!tpu.dma_semaphore, #tpu.memory_space<semaphore_mem>> -> memref<1x!tpu.dma_semaphore, #tpu.memory_space<semaphore_mem>>
      %dma_wait3A_1077 = tpu.memref_squeeze %dma_wait3A_1076 : memref<1x!tpu.dma_semaphore, #tpu.memory_space<semaphore_mem>> -> memref<!tpu.dma_semaphore, #tpu.memory_space<semaphore_mem>>
      %dma_wait3A_1078 = arith.constant 0 : i32
      %dma_wait3A_1079 = arith.constant 0 : i32
      %dma_wait3A_1080 = tpu.memref_slice %arg4[%dma_wait3A_1066, %dma_wait3A_1078, %dma_wait3A_1079] : memref<6400x128x64xf32, #tpu.memory_space<hbm>> -> memref<1x128x64xf32, #tpu.memory_space<hbm>>
      %dma_wait3A_1081 = tpu.memref_squeeze %dma_wait3A_1080 : memref<1x128x64xf32, #tpu.memory_space<hbm>> -> memref<128x64xf32, #tpu.memory_space<hbm>>
      %dma_wait3A_1082 = arith.constant 0 : i32
      %dma_wait3A_1083 = arith.constant 0 : i32
      %dma_wait3A_1084 = tpu.memref_slice %arg6[%dma_wait3A_1065, %dma_wait3A_1082, %dma_wait3A_1083] : memref<8x128x64xf32, #tpu.memory_space<vmem>> -> memref<1x128x64xf32, #tpu.memory_space<vmem>>
      %dma_wait3A_1085 = tpu.memref_squeeze %dma_wait3A_1084 : memref<1x128x64xf32, #tpu.memory_space<vmem>> -> memref<128x64xf32, #tpu.memory_space<vmem>>
      tpu.wait_dma2 semaphore(%dma_wait3A_1077 : memref<!tpu.dma_semaphore, #tpu.memory_space<semaphore_mem>>) src(%dma_wait3A_1085 : memref<128x64xf32, #tpu.memory_space<vmem>>) dst(%dma_wait3A_1081 : memref<128x64xf32, #tpu.memory_space<hbm>>)
      %dma_start3A_1086 = arith.constant 5 : i32
      %dma_start3A_1087 = arith.constant 5 : i32
      %dma_start3A_1088 = arith.constant 0 : i32
      %dma_start3A_1089 = arith.constant 0 : i32
      %dma_start3A_1090 = tpu.memref_slice %arg6[%dma_start3A_1086, %dma_start3A_1088, %dma_start3A_1089] : memref<8x128x64xf32, #tpu.memory_space<vmem>> -> memref<1x128x64xf32, #tpu.memory_space<vmem>>
      %dma_start3A_1091 = tpu.memref_squeeze %dma_start3A_1090 : memref<1x128x64xf32, #tpu.memory_space<vmem>> -> memref<128x64xf32, #tpu.memory_space<vmem>>
      %dma_start3A_1092 = arith.constant 0 : i32
      %dma_start3A_1093 = tpu.memref_slice %arg5[%add3A_1064, %dma_start3A_1092] : memref<200x128xi32, #tpu.memory_space<vmem>> -> memref<1x128xi32, #tpu.memory_space<vmem>>
      %dma_start3A_1094 = tpu.memref_squeeze %dma_start3A_1093 : memref<1x128xi32, #tpu.memory_space<vmem>> -> memref<128xi32, #tpu.memory_space<vmem>>
      %dma_start3A_1095 = arith.constant 0 : i32
      %dma_start3A_1096 = arith.constant 0 : i32
      %dma_start3A_1097 = tpu.memref_slice %arg3[%dma_start3A_1095, %dma_start3A_1096] : memref<1000000x64xf32, #tpu.memory_space<hbm>> -> memref<1000000x64xf32, #tpu.memory_space<hbm>>
      %dma_start3A_1098 = tpu.memref_slice %arg7[%dma_start3A_1087] : memref<8x!tpu.dma_semaphore, #tpu.memory_space<semaphore_mem>> -> memref<1x!tpu.dma_semaphore, #tpu.memory_space<semaphore_mem>>
      %dma_start3A_1099 = tpu.memref_squeeze %dma_start3A_1098 : memref<1x!tpu.dma_semaphore, #tpu.memory_space<semaphore_mem>> -> memref<!tpu.dma_semaphore, #tpu.memory_space<semaphore_mem>>
      tpu.enqueue_indirect_dma source(%dma_start3A_1097 : memref<1000000x64xf32, #tpu.memory_space<hbm>>) target(%dma_start3A_1091 : memref<128x64xf32, #tpu.memory_space<vmem>>) offsets(%dma_start3A_1094 : memref<128xi32, #tpu.memory_space<vmem>>) semaphore(%dma_start3A_1099 : memref<!tpu.dma_semaphore, #tpu.memory_space<semaphore_mem>>)
      %sub3A_1100 = arith.constant 4 : i32
      %sub3A_1101 = arith.subi %add3A_1064, %sub3A_1100 : i32
      %add3A_1102 = arith.addi %mul3A_2, %sub3A_1101 : i32
      %dma_wait3A_1103 = arith.constant 1 : i32
      %dma_wait3A_1104 = arith.constant 1 : i32
      %dma_wait3A_1105 = arith.constant 0 : i32
      %dma_wait3A_1106 = arith.constant 0 : i32
      %dma_wait3A_1107 = tpu.memref_slice %arg6[%dma_wait3A_1103, %dma_wait3A_1105, %dma_wait3A_1106] : memref<8x128x64xf32, #tpu.memory_space<vmem>> -> memref<1x128x64xf32, #tpu.memory_space<vmem>>
      %dma_wait3A_1108 = tpu.memref_squeeze %dma_wait3A_1107 : memref<1x128x64xf32, #tpu.memory_space<vmem>> -> memref<128x64xf32, #tpu.memory_space<vmem>>
      %dma_wait3A_1109 = arith.constant 0 : i32
      %dma_wait3A_1110 = arith.constant 0 : i32
      %dma_wait3A_1111 = tpu.memref_slice %arg4[%add3A_1102, %dma_wait3A_1109, %dma_wait3A_1110] : memref<6400x128x64xf32, #tpu.memory_space<hbm>> -> memref<1x128x64xf32, #tpu.memory_space<hbm>>
      %dma_wait3A_1112 = tpu.memref_squeeze %dma_wait3A_1111 : memref<1x128x64xf32, #tpu.memory_space<hbm>> -> memref<128x64xf32, #tpu.memory_space<hbm>>
      %dma_wait3A_1113 = tpu.memref_slice %arg7[%dma_wait3A_1104] : memref<8x!tpu.dma_semaphore, #tpu.memory_space<semaphore_mem>> -> memref<1x!tpu.dma_semaphore, #tpu.memory_space<semaphore_mem>>
      %dma_wait3A_1114 = tpu.memref_squeeze %dma_wait3A_1113 : memref<1x!tpu.dma_semaphore, #tpu.memory_space<semaphore_mem>> -> memref<!tpu.dma_semaphore, #tpu.memory_space<semaphore_mem>>
      %dma_wait3A_1115 = arith.constant 0 : i32
      %dma_wait3A_1116 = arith.constant 0 : i32
      %dma_wait3A_1117 = tpu.memref_slice %arg4[%add3A_1102, %dma_wait3A_1115, %dma_wait3A_1116] : memref<6400x128x64xf32, #tpu.memory_space<hbm>> -> memref<1x128x64xf32, #tpu.memory_space<hbm>>
      %dma_wait3A_1118 = tpu.memref_squeeze %dma_wait3A_1117 : memref<1x128x64xf32, #tpu.memory_space<hbm>> -> memref<128x64xf32, #tpu.memory_space<hbm>>
      %dma_wait3A_1119 = arith.constant 0 : i32
      %dma_wait3A_1120 = arith.constant 0 : i32
      %dma_wait3A_1121 = tpu.memref_slice %arg6[%dma_wait3A_1103, %dma_wait3A_1119, %dma_wait3A_1120] : memref<8x128x64xf32, #tpu.memory_space<vmem>> -> memref<1x128x64xf32, #tpu.memory_space<vmem>>
      %dma_wait3A_1122 = tpu.memref_squeeze %dma_wait3A_1121 : memref<1x128x64xf32, #tpu.memory_space<vmem>> -> memref<128x64xf32, #tpu.memory_space<vmem>>
      tpu.wait_dma2 semaphore(%dma_wait3A_1114 : memref<!tpu.dma_semaphore, #tpu.memory_space<semaphore_mem>>) src(%dma_wait3A_1122 : memref<128x64xf32, #tpu.memory_space<vmem>>) dst(%dma_wait3A_1118 : memref<128x64xf32, #tpu.memory_space<hbm>>)
      %add3A_1123 = arith.addi %mul3A_2, %sub3A_1101 : i32
      %dma_start3A_1124 = arith.constant 1 : i32
      %dma_start3A_1125 = arith.constant 1 : i32
      %dma_start3A_1126 = arith.constant 0 : i32
      %dma_start3A_1127 = arith.constant 0 : i32
      %dma_start3A_1128 = tpu.memref_slice %arg6[%dma_start3A_1124, %dma_start3A_1126, %dma_start3A_1127] : memref<8x128x64xf32, #tpu.memory_space<vmem>> -> memref<1x128x64xf32, #tpu.memory_space<vmem>>
      %dma_start3A_1129 = tpu.memref_squeeze %dma_start3A_1128 : memref<1x128x64xf32, #tpu.memory_space<vmem>> -> memref<128x64xf32, #tpu.memory_space<vmem>>
      %dma_start3A_1130 = arith.constant 0 : i32
      %dma_start3A_1131 = arith.constant 0 : i32
      %dma_start3A_1132 = tpu.memref_slice %arg4[%add3A_1123, %dma_start3A_1130, %dma_start3A_1131] : memref<6400x128x64xf32, #tpu.memory_space<hbm>> -> memref<1x128x64xf32, #tpu.memory_space<hbm>>
      %dma_start3A_1133 = tpu.memref_squeeze %dma_start3A_1132 : memref<1x128x64xf32, #tpu.memory_space<hbm>> -> memref<128x64xf32, #tpu.memory_space<hbm>>
      %dma_start3A_1134 = tpu.memref_slice %arg8[%dma_start3A_1125] : memref<8x!tpu.dma_semaphore, #tpu.memory_space<semaphore_mem>> -> memref<1x!tpu.dma_semaphore, #tpu.memory_space<semaphore_mem>>
      %dma_start3A_1135 = tpu.memref_squeeze %dma_start3A_1134 : memref<1x!tpu.dma_semaphore, #tpu.memory_space<semaphore_mem>> -> memref<!tpu.dma_semaphore, #tpu.memory_space<semaphore_mem>>
      %dma_start3A_1136 = arith.constant 0 : i32
      %dma_start3A_1137 = arith.constant 0 : i32
      %dma_start3A_1138 = tpu.memref_slice %arg4[%add3A_1123, %dma_start3A_1136, %dma_start3A_1137] : memref<6400x128x64xf32, #tpu.memory_space<hbm>> -> memref<1x128x64xf32, #tpu.memory_space<hbm>>
      %dma_start3A_1139 = tpu.memref_squeeze %dma_start3A_1138 : memref<1x128x64xf32, #tpu.memory_space<hbm>> -> memref<128x64xf32, #tpu.memory_space<hbm>>
      %dma_start3A_1140 = arith.constant 0 : i32
      %dma_start3A_1141 = arith.constant 0 : i32
      %dma_start3A_1142 = tpu.memref_slice %arg6[%dma_start3A_1124, %dma_start3A_1140, %dma_start3A_1141] : memref<8x128x64xf32, #tpu.memory_space<vmem>> -> memref<1x128x64xf32, #tpu.memory_space<vmem>>
      %dma_start3A_1143 = tpu.memref_squeeze %dma_start3A_1142 : memref<1x128x64xf32, #tpu.memory_space<vmem>> -> memref<128x64xf32, #tpu.memory_space<vmem>>
      tpu.enqueue_dma source(%dma_start3A_1143 : memref<128x64xf32, #tpu.memory_space<vmem>>) target(%dma_start3A_1139 : memref<128x64xf32, #tpu.memory_space<hbm>>) target_semaphore(%dma_start3A_1135 : memref<!tpu.dma_semaphore, #tpu.memory_space<semaphore_mem>>)
      %mul3A_1144 = arith.constant 8 : i32
      %mul3A_1145 = arith.muli %scan3A_646, %mul3A_1144 : i32
      %add3A_1146 = arith.constant 6 : i32
      %add3A_1147 = arith.addi %mul3A_1145, %add3A_1146 : i32
      %dma_wait3A_1148 = arith.constant 6 : i32
      %dma_wait3A_1149 = arith.constant 0 : i32
      %dma_wait3A_1150 = arith.constant 6 : i32
      %dma_wait3A_1151 = arith.constant 0 : i32
      %dma_wait3A_1152 = arith.constant 0 : i32
      %dma_wait3A_1153 = tpu.memref_slice %arg6[%dma_wait3A_1148, %dma_wait3A_1151, %dma_wait3A_1152] : memref<8x128x64xf32, #tpu.memory_space<vmem>> -> memref<1x128x64xf32, #tpu.memory_space<vmem>>
      %dma_wait3A_1154 = tpu.memref_squeeze %dma_wait3A_1153 : memref<1x128x64xf32, #tpu.memory_space<vmem>> -> memref<128x64xf32, #tpu.memory_space<vmem>>
      %dma_wait3A_1155 = arith.constant 0 : i32
      %dma_wait3A_1156 = arith.constant 0 : i32
      %dma_wait3A_1157 = tpu.memref_slice %arg4[%dma_wait3A_1149, %dma_wait3A_1155, %dma_wait3A_1156] : memref<6400x128x64xf32, #tpu.memory_space<hbm>> -> memref<1x128x64xf32, #tpu.memory_space<hbm>>
      %dma_wait3A_1158 = tpu.memref_squeeze %dma_wait3A_1157 : memref<1x128x64xf32, #tpu.memory_space<hbm>> -> memref<128x64xf32, #tpu.memory_space<hbm>>
      %dma_wait3A_1159 = tpu.memref_slice %arg8[%dma_wait3A_1150] : memref<8x!tpu.dma_semaphore, #tpu.memory_space<semaphore_mem>> -> memref<1x!tpu.dma_semaphore, #tpu.memory_space<semaphore_mem>>
      %dma_wait3A_1160 = tpu.memref_squeeze %dma_wait3A_1159 : memref<1x!tpu.dma_semaphore, #tpu.memory_space<semaphore_mem>> -> memref<!tpu.dma_semaphore, #tpu.memory_space<semaphore_mem>>
      %dma_wait3A_1161 = arith.constant 0 : i32
      %dma_wait3A_1162 = arith.constant 0 : i32
      %dma_wait3A_1163 = tpu.memref_slice %arg4[%dma_wait3A_1149, %dma_wait3A_1161, %dma_wait3A_1162] : memref<6400x128x64xf32, #tpu.memory_space<hbm>> -> memref<1x128x64xf32, #tpu.memory_space<hbm>>
      %dma_wait3A_1164 = tpu.memref_squeeze %dma_wait3A_1163 : memref<1x128x64xf32, #tpu.memory_space<hbm>> -> memref<128x64xf32, #tpu.memory_space<hbm>>
      %dma_wait3A_1165 = arith.constant 0 : i32
      %dma_wait3A_1166 = arith.constant 0 : i32
      %dma_wait3A_1167 = tpu.memref_slice %arg6[%dma_wait3A_1148, %dma_wait3A_1165, %dma_wait3A_1166] : memref<8x128x64xf32, #tpu.memory_space<vmem>> -> memref<1x128x64xf32, #tpu.memory_space<vmem>>
      %dma_wait3A_1168 = tpu.memref_squeeze %dma_wait3A_1167 : memref<1x128x64xf32, #tpu.memory_space<vmem>> -> memref<128x64xf32, #tpu.memory_space<vmem>>
      tpu.wait_dma2 semaphore(%dma_wait3A_1160 : memref<!tpu.dma_semaphore, #tpu.memory_space<semaphore_mem>>) src(%dma_wait3A_1168 : memref<128x64xf32, #tpu.memory_space<vmem>>) dst(%dma_wait3A_1164 : memref<128x64xf32, #tpu.memory_space<hbm>>)
      %dma_start3A_1169 = arith.constant 6 : i32
      %dma_start3A_1170 = arith.constant 6 : i32
      %dma_start3A_1171 = arith.constant 0 : i32
      %dma_start3A_1172 = arith.constant 0 : i32
      %dma_start3A_1173 = tpu.memref_slice %arg6[%dma_start3A_1169, %dma_start3A_1171, %dma_start3A_1172] : memref<8x128x64xf32, #tpu.memory_space<vmem>> -> memref<1x128x64xf32, #tpu.memory_space<vmem>>
      %dma_start3A_1174 = tpu.memref_squeeze %dma_start3A_1173 : memref<1x128x64xf32, #tpu.memory_space<vmem>> -> memref<128x64xf32, #tpu.memory_space<vmem>>
      %dma_start3A_1175 = arith.constant 0 : i32
      %dma_start3A_1176 = tpu.memref_slice %arg5[%add3A_1147, %dma_start3A_1175] : memref<200x128xi32, #tpu.memory_space<vmem>> -> memref<1x128xi32, #tpu.memory_space<vmem>>
      %dma_start3A_1177 = tpu.memref_squeeze %dma_start3A_1176 : memref<1x128xi32, #tpu.memory_space<vmem>> -> memref<128xi32, #tpu.memory_space<vmem>>
      %dma_start3A_1178 = arith.constant 0 : i32
      %dma_start3A_1179 = arith.constant 0 : i32
      %dma_start3A_1180 = tpu.memref_slice %arg3[%dma_start3A_1178, %dma_start3A_1179] : memref<1000000x64xf32, #tpu.memory_space<hbm>> -> memref<1000000x64xf32, #tpu.memory_space<hbm>>
      %dma_start3A_1181 = tpu.memref_slice %arg7[%dma_start3A_1170] : memref<8x!tpu.dma_semaphore, #tpu.memory_space<semaphore_mem>> -> memref<1x!tpu.dma_semaphore, #tpu.memory_space<semaphore_mem>>
      %dma_start3A_1182 = tpu.memref_squeeze %dma_start3A_1181 : memref<1x!tpu.dma_semaphore, #tpu.memory_space<semaphore_mem>> -> memref<!tpu.dma_semaphore, #tpu.memory_space<semaphore_mem>>
      tpu.enqueue_indirect_dma source(%dma_start3A_1180 : memref<1000000x64xf32, #tpu.memory_space<hbm>>) target(%dma_start3A_1174 : memref<128x64xf32, #tpu.memory_space<vmem>>) offsets(%dma_start3A_1177 : memref<128xi32, #tpu.memory_space<vmem>>) semaphore(%dma_start3A_1182 : memref<!tpu.dma_semaphore, #tpu.memory_space<semaphore_mem>>)
      %sub3A_1183 = arith.constant 4 : i32
      %sub3A_1184 = arith.subi %add3A_1147, %sub3A_1183 : i32
      %add3A_1185 = arith.addi %mul3A_2, %sub3A_1184 : i32
      %dma_wait3A_1186 = arith.constant 2 : i32
      %dma_wait3A_1187 = arith.constant 2 : i32
      %dma_wait3A_1188 = arith.constant 0 : i32
      %dma_wait3A_1189 = arith.constant 0 : i32
      %dma_wait3A_1190 = tpu.memref_slice %arg6[%dma_wait3A_1186, %dma_wait3A_1188, %dma_wait3A_1189] : memref<8x128x64xf32, #tpu.memory_space<vmem>> -> memref<1x128x64xf32, #tpu.memory_space<vmem>>
      %dma_wait3A_1191 = tpu.memref_squeeze %dma_wait3A_1190 : memref<1x128x64xf32, #tpu.memory_space<vmem>> -> memref<128x64xf32, #tpu.memory_space<vmem>>
      %dma_wait3A_1192 = arith.constant 0 : i32
      %dma_wait3A_1193 = arith.constant 0 : i32
      %dma_wait3A_1194 = tpu.memref_slice %arg4[%add3A_1185, %dma_wait3A_1192, %dma_wait3A_1193] : memref<6400x128x64xf32, #tpu.memory_space<hbm>> -> memref<1x128x64xf32, #tpu.memory_space<hbm>>
      %dma_wait3A_1195 = tpu.memref_squeeze %dma_wait3A_1194 : memref<1x128x64xf32, #tpu.memory_space<hbm>> -> memref<128x64xf32, #tpu.memory_space<hbm>>
      %dma_wait3A_1196 = tpu.memref_slice %arg7[%dma_wait3A_1187] : memref<8x!tpu.dma_semaphore, #tpu.memory_space<semaphore_mem>> -> memref<1x!tpu.dma_semaphore, #tpu.memory_space<semaphore_mem>>
      %dma_wait3A_1197 = tpu.memref_squeeze %dma_wait3A_1196 : memref<1x!tpu.dma_semaphore, #tpu.memory_space<semaphore_mem>> -> memref<!tpu.dma_semaphore, #tpu.memory_space<semaphore_mem>>
      %dma_wait3A_1198 = arith.constant 0 : i32
      %dma_wait3A_1199 = arith.constant 0 : i32
      %dma_wait3A_1200 = tpu.memref_slice %arg4[%add3A_1185, %dma_wait3A_1198, %dma_wait3A_1199] : memref<6400x128x64xf32, #tpu.memory_space<hbm>> -> memref<1x128x64xf32, #tpu.memory_space<hbm>>
      %dma_wait3A_1201 = tpu.memref_squeeze %dma_wait3A_1200 : memref<1x128x64xf32, #tpu.memory_space<hbm>> -> memref<128x64xf32, #tpu.memory_space<hbm>>
      %dma_wait3A_1202 = arith.constant 0 : i32
      %dma_wait3A_1203 = arith.constant 0 : i32
      %dma_wait3A_1204 = tpu.memref_slice %arg6[%dma_wait3A_1186, %dma_wait3A_1202, %dma_wait3A_1203] : memref<8x128x64xf32, #tpu.memory_space<vmem>> -> memref<1x128x64xf32, #tpu.memory_space<vmem>>
      %dma_wait3A_1205 = tpu.memref_squeeze %dma_wait3A_1204 : memref<1x128x64xf32, #tpu.memory_space<vmem>> -> memref<128x64xf32, #tpu.memory_space<vmem>>
      tpu.wait_dma2 semaphore(%dma_wait3A_1197 : memref<!tpu.dma_semaphore, #tpu.memory_space<semaphore_mem>>) src(%dma_wait3A_1205 : memref<128x64xf32, #tpu.memory_space<vmem>>) dst(%dma_wait3A_1201 : memref<128x64xf32, #tpu.memory_space<hbm>>)
      %add3A_1206 = arith.addi %mul3A_2, %sub3A_1184 : i32
      %dma_start3A_1207 = arith.constant 2 : i32
      %dma_start3A_1208 = arith.constant 2 : i32
      %dma_start3A_1209 = arith.constant 0 : i32
      %dma_start3A_1210 = arith.constant 0 : i32
      %dma_start3A_1211 = tpu.memref_slice %arg6[%dma_start3A_1207, %dma_start3A_1209, %dma_start3A_1210] : memref<8x128x64xf32, #tpu.memory_space<vmem>> -> memref<1x128x64xf32, #tpu.memory_space<vmem>>
      %dma_start3A_1212 = tpu.memref_squeeze %dma_start3A_1211 : memref<1x128x64xf32, #tpu.memory_space<vmem>> -> memref<128x64xf32, #tpu.memory_space<vmem>>
      %dma_start3A_1213 = arith.constant 0 : i32
      %dma_start3A_1214 = arith.constant 0 : i32
      %dma_start3A_1215 = tpu.memref_slice %arg4[%add3A_1206, %dma_start3A_1213, %dma_start3A_1214] : memref<6400x128x64xf32, #tpu.memory_space<hbm>> -> memref<1x128x64xf32, #tpu.memory_space<hbm>>
      %dma_start3A_1216 = tpu.memref_squeeze %dma_start3A_1215 : memref<1x128x64xf32, #tpu.memory_space<hbm>> -> memref<128x64xf32, #tpu.memory_space<hbm>>
      %dma_start3A_1217 = tpu.memref_slice %arg8[%dma_start3A_1208] : memref<8x!tpu.dma_semaphore, #tpu.memory_space<semaphore_mem>> -> memref<1x!tpu.dma_semaphore, #tpu.memory_space<semaphore_mem>>
      %dma_start3A_1218 = tpu.memref_squeeze %dma_start3A_1217 : memref<1x!tpu.dma_semaphore, #tpu.memory_space<semaphore_mem>> -> memref<!tpu.dma_semaphore, #tpu.memory_space<semaphore_mem>>
      %dma_start3A_1219 = arith.constant 0 : i32
      %dma_start3A_1220 = arith.constant 0 : i32
      %dma_start3A_1221 = tpu.memref_slice %arg4[%add3A_1206, %dma_start3A_1219, %dma_start3A_1220] : memref<6400x128x64xf32, #tpu.memory_space<hbm>> -> memref<1x128x64xf32, #tpu.memory_space<hbm>>
      %dma_start3A_1222 = tpu.memref_squeeze %dma_start3A_1221 : memref<1x128x64xf32, #tpu.memory_space<hbm>> -> memref<128x64xf32, #tpu.memory_space<hbm>>
      %dma_start3A_1223 = arith.constant 0 : i32
      %dma_start3A_1224 = arith.constant 0 : i32
      %dma_start3A_1225 = tpu.memref_slice %arg6[%dma_start3A_1207, %dma_start3A_1223, %dma_start3A_1224] : memref<8x128x64xf32, #tpu.memory_space<vmem>> -> memref<1x128x64xf32, #tpu.memory_space<vmem>>
      %dma_start3A_1226 = tpu.memref_squeeze %dma_start3A_1225 : memref<1x128x64xf32, #tpu.memory_space<vmem>> -> memref<128x64xf32, #tpu.memory_space<vmem>>
      tpu.enqueue_dma source(%dma_start3A_1226 : memref<128x64xf32, #tpu.memory_space<vmem>>) target(%dma_start3A_1222 : memref<128x64xf32, #tpu.memory_space<hbm>>) target_semaphore(%dma_start3A_1218 : memref<!tpu.dma_semaphore, #tpu.memory_space<semaphore_mem>>)
      %mul3A_1227 = arith.constant 8 : i32
      %mul3A_1228 = arith.muli %scan3A_646, %mul3A_1227 : i32
      %add3A_1229 = arith.constant 7 : i32
      %add3A_1230 = arith.addi %mul3A_1228, %add3A_1229 : i32
      %dma_wait3A_1231 = arith.constant 7 : i32
      %dma_wait3A_1232 = arith.constant 0 : i32
      %dma_wait3A_1233 = arith.constant 7 : i32
      %dma_wait3A_1234 = arith.constant 0 : i32
      %dma_wait3A_1235 = arith.constant 0 : i32
      %dma_wait3A_1236 = tpu.memref_slice %arg6[%dma_wait3A_1231, %dma_wait3A_1234, %dma_wait3A_1235] : memref<8x128x64xf32, #tpu.memory_space<vmem>> -> memref<1x128x64xf32, #tpu.memory_space<vmem>>
      %dma_wait3A_1237 = tpu.memref_squeeze %dma_wait3A_1236 : memref<1x128x64xf32, #tpu.memory_space<vmem>> -> memref<128x64xf32, #tpu.memory_space<vmem>>
      %dma_wait3A_1238 = arith.constant 0 : i32
      %dma_wait3A_1239 = arith.constant 0 : i32
      %dma_wait3A_1240 = tpu.memref_slice %arg4[%dma_wait3A_1232, %dma_wait3A_1238, %dma_wait3A_1239] : memref<6400x128x64xf32, #tpu.memory_space<hbm>> -> memref<1x128x64xf32, #tpu.memory_space<hbm>>
      %dma_wait3A_1241 = tpu.memref_squeeze %dma_wait3A_1240 : memref<1x128x64xf32, #tpu.memory_space<hbm>> -> memref<128x64xf32, #tpu.memory_space<hbm>>
      %dma_wait3A_1242 = tpu.memref_slice %arg8[%dma_wait3A_1233] : memref<8x!tpu.dma_semaphore, #tpu.memory_space<semaphore_mem>> -> memref<1x!tpu.dma_semaphore, #tpu.memory_space<semaphore_mem>>
      %dma_wait3A_1243 = tpu.memref_squeeze %dma_wait3A_1242 : memref<1x!tpu.dma_semaphore, #tpu.memory_space<semaphore_mem>> -> memref<!tpu.dma_semaphore, #tpu.memory_space<semaphore_mem>>
      %dma_wait3A_1244 = arith.constant 0 : i32
      %dma_wait3A_1245 = arith.constant 0 : i32
      %dma_wait3A_1246 = tpu.memref_slice %arg4[%dma_wait3A_1232, %dma_wait3A_1244, %dma_wait3A_1245] : memref<6400x128x64xf32, #tpu.memory_space<hbm>> -> memref<1x128x64xf32, #tpu.memory_space<hbm>>
      %dma_wait3A_1247 = tpu.memref_squeeze %dma_wait3A_1246 : memref<1x128x64xf32, #tpu.memory_space<hbm>> -> memref<128x64xf32, #tpu.memory_space<hbm>>
      %dma_wait3A_1248 = arith.constant 0 : i32
      %dma_wait3A_1249 = arith.constant 0 : i32
      %dma_wait3A_1250 = tpu.memref_slice %arg6[%dma_wait3A_1231, %dma_wait3A_1248, %dma_wait3A_1249] : memref<8x128x64xf32, #tpu.memory_space<vmem>> -> memref<1x128x64xf32, #tpu.memory_space<vmem>>
      %dma_wait3A_1251 = tpu.memref_squeeze %dma_wait3A_1250 : memref<1x128x64xf32, #tpu.memory_space<vmem>> -> memref<128x64xf32, #tpu.memory_space<vmem>>
      tpu.wait_dma2 semaphore(%dma_wait3A_1243 : memref<!tpu.dma_semaphore, #tpu.memory_space<semaphore_mem>>) src(%dma_wait3A_1251 : memref<128x64xf32, #tpu.memory_space<vmem>>) dst(%dma_wait3A_1247 : memref<128x64xf32, #tpu.memory_space<hbm>>)
      %dma_start3A_1252 = arith.constant 7 : i32
      %dma_start3A_1253 = arith.constant 7 : i32
      %dma_start3A_1254 = arith.constant 0 : i32
      %dma_start3A_1255 = arith.constant 0 : i32
      %dma_start3A_1256 = tpu.memref_slice %arg6[%dma_start3A_1252, %dma_start3A_1254, %dma_start3A_1255] : memref<8x128x64xf32, #tpu.memory_space<vmem>> -> memref<1x128x64xf32, #tpu.memory_space<vmem>>
      %dma_start3A_1257 = tpu.memref_squeeze %dma_start3A_1256 : memref<1x128x64xf32, #tpu.memory_space<vmem>> -> memref<128x64xf32, #tpu.memory_space<vmem>>
      %dma_start3A_1258 = arith.constant 0 : i32
      %dma_start3A_1259 = tpu.memref_slice %arg5[%add3A_1230, %dma_start3A_1258] : memref<200x128xi32, #tpu.memory_space<vmem>> -> memref<1x128xi32, #tpu.memory_space<vmem>>
      %dma_start3A_1260 = tpu.memref_squeeze %dma_start3A_1259 : memref<1x128xi32, #tpu.memory_space<vmem>> -> memref<128xi32, #tpu.memory_space<vmem>>
      %dma_start3A_1261 = arith.constant 0 : i32
      %dma_start3A_1262 = arith.constant 0 : i32
      %dma_start3A_1263 = tpu.memref_slice %arg3[%dma_start3A_1261, %dma_start3A_1262] : memref<1000000x64xf32, #tpu.memory_space<hbm>> -> memref<1000000x64xf32, #tpu.memory_space<hbm>>
      %dma_start3A_1264 = tpu.memref_slice %arg7[%dma_start3A_1253] : memref<8x!tpu.dma_semaphore, #tpu.memory_space<semaphore_mem>> -> memref<1x!tpu.dma_semaphore, #tpu.memory_space<semaphore_mem>>
      %dma_start3A_1265 = tpu.memref_squeeze %dma_start3A_1264 : memref<1x!tpu.dma_semaphore, #tpu.memory_space<semaphore_mem>> -> memref<!tpu.dma_semaphore, #tpu.memory_space<semaphore_mem>>
      tpu.enqueue_indirect_dma source(%dma_start3A_1263 : memref<1000000x64xf32, #tpu.memory_space<hbm>>) target(%dma_start3A_1257 : memref<128x64xf32, #tpu.memory_space<vmem>>) offsets(%dma_start3A_1260 : memref<128xi32, #tpu.memory_space<vmem>>) semaphore(%dma_start3A_1265 : memref<!tpu.dma_semaphore, #tpu.memory_space<semaphore_mem>>)
      %sub3A_1266 = arith.constant 4 : i32
      %sub3A_1267 = arith.subi %add3A_1230, %sub3A_1266 : i32
      %add3A_1268 = arith.addi %mul3A_2, %sub3A_1267 : i32
      %dma_wait3A_1269 = arith.constant 3 : i32
      %dma_wait3A_1270 = arith.constant 3 : i32
      %dma_wait3A_1271 = arith.constant 0 : i32
      %dma_wait3A_1272 = arith.constant 0 : i32
      %dma_wait3A_1273 = tpu.memref_slice %arg6[%dma_wait3A_1269, %dma_wait3A_1271, %dma_wait3A_1272] : memref<8x128x64xf32, #tpu.memory_space<vmem>> -> memref<1x128x64xf32, #tpu.memory_space<vmem>>
      %dma_wait3A_1274 = tpu.memref_squeeze %dma_wait3A_1273 : memref<1x128x64xf32, #tpu.memory_space<vmem>> -> memref<128x64xf32, #tpu.memory_space<vmem>>
      %dma_wait3A_1275 = arith.constant 0 : i32
      %dma_wait3A_1276 = arith.constant 0 : i32
      %dma_wait3A_1277 = tpu.memref_slice %arg4[%add3A_1268, %dma_wait3A_1275, %dma_wait3A_1276] : memref<6400x128x64xf32, #tpu.memory_space<hbm>> -> memref<1x128x64xf32, #tpu.memory_space<hbm>>
      %dma_wait3A_1278 = tpu.memref_squeeze %dma_wait3A_1277 : memref<1x128x64xf32, #tpu.memory_space<hbm>> -> memref<128x64xf32, #tpu.memory_space<hbm>>
      %dma_wait3A_1279 = tpu.memref_slice %arg7[%dma_wait3A_1270] : memref<8x!tpu.dma_semaphore, #tpu.memory_space<semaphore_mem>> -> memref<1x!tpu.dma_semaphore, #tpu.memory_space<semaphore_mem>>
      %dma_wait3A_1280 = tpu.memref_squeeze %dma_wait3A_1279 : memref<1x!tpu.dma_semaphore, #tpu.memory_space<semaphore_mem>> -> memref<!tpu.dma_semaphore, #tpu.memory_space<semaphore_mem>>
      %dma_wait3A_1281 = arith.constant 0 : i32
      %dma_wait3A_1282 = arith.constant 0 : i32
      %dma_wait3A_1283 = tpu.memref_slice %arg4[%add3A_1268, %dma_wait3A_1281, %dma_wait3A_1282] : memref<6400x128x64xf32, #tpu.memory_space<hbm>> -> memref<1x128x64xf32, #tpu.memory_space<hbm>>
      %dma_wait3A_1284 = tpu.memref_squeeze %dma_wait3A_1283 : memref<1x128x64xf32, #tpu.memory_space<hbm>> -> memref<128x64xf32, #tpu.memory_space<hbm>>
      %dma_wait3A_1285 = arith.constant 0 : i32
      %dma_wait3A_1286 = arith.constant 0 : i32
      %dma_wait3A_1287 = tpu.memref_slice %arg6[%dma_wait3A_1269, %dma_wait3A_1285, %dma_wait3A_1286] : memref<8x128x64xf32, #tpu.memory_space<vmem>> -> memref<1x128x64xf32, #tpu.memory_space<vmem>>
      %dma_wait3A_1288 = tpu.memref_squeeze %dma_wait3A_1287 : memref<1x128x64xf32, #tpu.memory_space<vmem>> -> memref<128x64xf32, #tpu.memory_space<vmem>>
      tpu.wait_dma2 semaphore(%dma_wait3A_1280 : memref<!tpu.dma_semaphore, #tpu.memory_space<semaphore_mem>>) src(%dma_wait3A_1288 : memref<128x64xf32, #tpu.memory_space<vmem>>) dst(%dma_wait3A_1284 : memref<128x64xf32, #tpu.memory_space<hbm>>)
      %add3A_1289 = arith.addi %mul3A_2, %sub3A_1267 : i32
      %dma_start3A_1290 = arith.constant 3 : i32
      %dma_start3A_1291 = arith.constant 3 : i32
      %dma_start3A_1292 = arith.constant 0 : i32
      %dma_start3A_1293 = arith.constant 0 : i32
      %dma_start3A_1294 = tpu.memref_slice %arg6[%dma_start3A_1290, %dma_start3A_1292, %dma_start3A_1293] : memref<8x128x64xf32, #tpu.memory_space<vmem>> -> memref<1x128x64xf32, #tpu.memory_space<vmem>>
      %dma_start3A_1295 = tpu.memref_squeeze %dma_start3A_1294 : memref<1x128x64xf32, #tpu.memory_space<vmem>> -> memref<128x64xf32, #tpu.memory_space<vmem>>
      %dma_start3A_1296 = arith.constant 0 : i32
      %dma_start3A_1297 = arith.constant 0 : i32
      %dma_start3A_1298 = tpu.memref_slice %arg4[%add3A_1289, %dma_start3A_1296, %dma_start3A_1297] : memref<6400x128x64xf32, #tpu.memory_space<hbm>> -> memref<1x128x64xf32, #tpu.memory_space<hbm>>
      %dma_start3A_1299 = tpu.memref_squeeze %dma_start3A_1298 : memref<1x128x64xf32, #tpu.memory_space<hbm>> -> memref<128x64xf32, #tpu.memory_space<hbm>>
      %dma_start3A_1300 = tpu.memref_slice %arg8[%dma_start3A_1291] : memref<8x!tpu.dma_semaphore, #tpu.memory_space<semaphore_mem>> -> memref<1x!tpu.dma_semaphore, #tpu.memory_space<semaphore_mem>>
      %dma_start3A_1301 = tpu.memref_squeeze %dma_start3A_1300 : memref<1x!tpu.dma_semaphore, #tpu.memory_space<semaphore_mem>> -> memref<!tpu.dma_semaphore, #tpu.memory_space<semaphore_mem>>
      %dma_start3A_1302 = arith.constant 0 : i32
      %dma_start3A_1303 = arith.constant 0 : i32
      %dma_start3A_1304 = tpu.memref_slice %arg4[%add3A_1289, %dma_start3A_1302, %dma_start3A_1303] : memref<6400x128x64xf32, #tpu.memory_space<hbm>> -> memref<1x128x64xf32, #tpu.memory_space<hbm>>
      %dma_start3A_1305 = tpu.memref_squeeze %dma_start3A_1304 : memref<1x128x64xf32, #tpu.memory_space<hbm>> -> memref<128x64xf32, #tpu.memory_space<hbm>>
      %dma_start3A_1306 = arith.constant 0 : i32
      %dma_start3A_1307 = arith.constant 0 : i32
      %dma_start3A_1308 = tpu.memref_slice %arg6[%dma_start3A_1290, %dma_start3A_1306, %dma_start3A_1307] : memref<8x128x64xf32, #tpu.memory_space<vmem>> -> memref<1x128x64xf32, #tpu.memory_space<vmem>>
      %dma_start3A_1309 = tpu.memref_squeeze %dma_start3A_1308 : memref<1x128x64xf32, #tpu.memory_space<vmem>> -> memref<128x64xf32, #tpu.memory_space<vmem>>
      tpu.enqueue_dma source(%dma_start3A_1309 : memref<128x64xf32, #tpu.memory_space<vmem>>) target(%dma_start3A_1305 : memref<128x64xf32, #tpu.memory_space<hbm>>) target_semaphore(%dma_start3A_1301 : memref<!tpu.dma_semaphore, #tpu.memory_space<semaphore_mem>>)
    }
    %scan3A_301 = arith.constant 24 : i32
    %add3A_302 = arith.constant 196 : i32
    %add3A_303 = arith.addi %mul3A_2, %add3A_302 : i32
    %dma_wait3A_304 = arith.constant 4 : i32
    %dma_wait3A_305 = arith.constant 4 : i32
    %dma_wait3A_306 = arith.constant 0 : i32
    %dma_wait3A_307 = arith.constant 0 : i32
    %dma_wait3A_308 = tpu.memref_slice %arg6[%dma_wait3A_304, %dma_wait3A_306, %dma_wait3A_307] : memref<8x128x64xf32, #tpu.memory_space<vmem>> -> memref<1x128x64xf32, #tpu.memory_space<vmem>>
    %dma_wait3A_309 = tpu.memref_squeeze %dma_wait3A_308 : memref<1x128x64xf32, #tpu.memory_space<vmem>> -> memref<128x64xf32, #tpu.memory_space<vmem>>
    %dma_wait3A_310 = arith.constant 0 : i32
    %dma_wait3A_311 = arith.constant 0 : i32
    %dma_wait3A_312 = tpu.memref_slice %arg4[%add3A_303, %dma_wait3A_310, %dma_wait3A_311] : memref<6400x128x64xf32, #tpu.memory_space<hbm>> -> memref<1x128x64xf32, #tpu.memory_space<hbm>>
    %dma_wait3A_313 = tpu.memref_squeeze %dma_wait3A_312 : memref<1x128x64xf32, #tpu.memory_space<hbm>> -> memref<128x64xf32, #tpu.memory_space<hbm>>
    %dma_wait3A_314 = tpu.memref_slice %arg7[%dma_wait3A_305] : memref<8x!tpu.dma_semaphore, #tpu.memory_space<semaphore_mem>> -> memref<1x!tpu.dma_semaphore, #tpu.memory_space<semaphore_mem>>
    %dma_wait3A_315 = tpu.memref_squeeze %dma_wait3A_314 : memref<1x!tpu.dma_semaphore, #tpu.memory_space<semaphore_mem>> -> memref<!tpu.dma_semaphore, #tpu.memory_space<semaphore_mem>>
    %dma_wait3A_316 = arith.constant 0 : i32
    %dma_wait3A_317 = arith.constant 0 : i32
    %dma_wait3A_318 = tpu.memref_slice %arg4[%add3A_303, %dma_wait3A_316, %dma_wait3A_317] : memref<6400x128x64xf32, #tpu.memory_space<hbm>> -> memref<1x128x64xf32, #tpu.memory_space<hbm>>
    %dma_wait3A_319 = tpu.memref_squeeze %dma_wait3A_318 : memref<1x128x64xf32, #tpu.memory_space<hbm>> -> memref<128x64xf32, #tpu.memory_space<hbm>>
    %dma_wait3A_320 = arith.constant 0 : i32
    %dma_wait3A_321 = arith.constant 0 : i32
    %dma_wait3A_322 = tpu.memref_slice %arg6[%dma_wait3A_304, %dma_wait3A_320, %dma_wait3A_321] : memref<8x128x64xf32, #tpu.memory_space<vmem>> -> memref<1x128x64xf32, #tpu.memory_space<vmem>>
    %dma_wait3A_323 = tpu.memref_squeeze %dma_wait3A_322 : memref<1x128x64xf32, #tpu.memory_space<vmem>> -> memref<128x64xf32, #tpu.memory_space<vmem>>
    tpu.wait_dma2 semaphore(%dma_wait3A_315 : memref<!tpu.dma_semaphore, #tpu.memory_space<semaphore_mem>>) src(%dma_wait3A_323 : memref<128x64xf32, #tpu.memory_space<vmem>>) dst(%dma_wait3A_319 : memref<128x64xf32, #tpu.memory_space<hbm>>)
    %add3A_324 = arith.constant 196 : i32
    %add3A_325 = arith.addi %mul3A_2, %add3A_324 : i32
    %dma_start3A_326 = arith.constant 4 : i32
    %dma_start3A_327 = arith.constant 4 : i32
    %dma_start3A_328 = arith.constant 0 : i32
    %dma_start3A_329 = arith.constant 0 : i32
    %dma_start3A_330 = tpu.memref_slice %arg6[%dma_start3A_326, %dma_start3A_328, %dma_start3A_329] : memref<8x128x64xf32, #tpu.memory_space<vmem>> -> memref<1x128x64xf32, #tpu.memory_space<vmem>>
    %dma_start3A_331 = tpu.memref_squeeze %dma_start3A_330 : memref<1x128x64xf32, #tpu.memory_space<vmem>> -> memref<128x64xf32, #tpu.memory_space<vmem>>
    %dma_start3A_332 = arith.constant 0 : i32
    %dma_start3A_333 = arith.constant 0 : i32
    %dma_start3A_334 = tpu.memref_slice %arg4[%add3A_325, %dma_start3A_332, %dma_start3A_333] : memref<6400x128x64xf32, #tpu.memory_space<hbm>> -> memref<1x128x64xf32, #tpu.memory_space<hbm>>
    %dma_start3A_335 = tpu.memref_squeeze %dma_start3A_334 : memref<1x128x64xf32, #tpu.memory_space<hbm>> -> memref<128x64xf32, #tpu.memory_space<hbm>>
    %dma_start3A_336 = tpu.memref_slice %arg8[%dma_start3A_327] : memref<8x!tpu.dma_semaphore, #tpu.memory_space<semaphore_mem>> -> memref<1x!tpu.dma_semaphore, #tpu.memory_space<semaphore_mem>>
    %dma_start3A_337 = tpu.memref_squeeze %dma_start3A_336 : memref<1x!tpu.dma_semaphore, #tpu.memory_space<semaphore_mem>> -> memref<!tpu.dma_semaphore, #tpu.memory_space<semaphore_mem>>
    %dma_start3A_338 = arith.constant 0 : i32
    %dma_start3A_339 = arith.constant 0 : i32
    %dma_start3A_340 = tpu.memref_slice %arg4[%add3A_325, %dma_start3A_338, %dma_start3A_339] : memref<6400x128x64xf32, #tpu.memory_space<hbm>> -> memref<1x128x64xf32, #tpu.memory_space<hbm>>
    %dma_start3A_341 = tpu.memref_squeeze %dma_start3A_340 : memref<1x128x64xf32, #tpu.memory_space<hbm>> -> memref<128x64xf32, #tpu.memory_space<hbm>>
    %dma_start3A_342 = arith.constant 0 : i32
    %dma_start3A_343 = arith.constant 0 : i32
    %dma_start3A_344 = tpu.memref_slice %arg6[%dma_start3A_326, %dma_start3A_342, %dma_start3A_343] : memref<8x128x64xf32, #tpu.memory_space<vmem>> -> memref<1x128x64xf32, #tpu.memory_space<vmem>>
    %dma_start3A_345 = tpu.memref_squeeze %dma_start3A_344 : memref<1x128x64xf32, #tpu.memory_space<vmem>> -> memref<128x64xf32, #tpu.memory_space<vmem>>
    tpu.enqueue_dma source(%dma_start3A_345 : memref<128x64xf32, #tpu.memory_space<vmem>>) target(%dma_start3A_341 : memref<128x64xf32, #tpu.memory_space<hbm>>) target_semaphore(%dma_start3A_337 : memref<!tpu.dma_semaphore, #tpu.memory_space<semaphore_mem>>)
    %add3A_346 = arith.constant 197 : i32
    %add3A_347 = arith.addi %mul3A_2, %add3A_346 : i32
    %dma_wait3A_348 = arith.constant 5 : i32
    %dma_wait3A_349 = arith.constant 5 : i32
    %dma_wait3A_350 = arith.constant 0 : i32
    %dma_wait3A_351 = arith.constant 0 : i32
    %dma_wait3A_352 = tpu.memref_slice %arg6[%dma_wait3A_348, %dma_wait3A_350, %dma_wait3A_351] : memref<8x128x64xf32, #tpu.memory_space<vmem>> -> memref<1x128x64xf32, #tpu.memory_space<vmem>>
    %dma_wait3A_353 = tpu.memref_squeeze %dma_wait3A_352 : memref<1x128x64xf32, #tpu.memory_space<vmem>> -> memref<128x64xf32, #tpu.memory_space<vmem>>
    %dma_wait3A_354 = arith.constant 0 : i32
    %dma_wait3A_355 = arith.constant 0 : i32
    %dma_wait3A_356 = tpu.memref_slice %arg4[%add3A_347, %dma_wait3A_354, %dma_wait3A_355] : memref<6400x128x64xf32, #tpu.memory_space<hbm>> -> memref<1x128x64xf32, #tpu.memory_space<hbm>>
    %dma_wait3A_357 = tpu.memref_squeeze %dma_wait3A_356 : memref<1x128x64xf32, #tpu.memory_space<hbm>> -> memref<128x64xf32, #tpu.memory_space<hbm>>
    %dma_wait3A_358 = tpu.memref_slice %arg7[%dma_wait3A_349] : memref<8x!tpu.dma_semaphore, #tpu.memory_space<semaphore_mem>> -> memref<1x!tpu.dma_semaphore, #tpu.memory_space<semaphore_mem>>
    %dma_wait3A_359 = tpu.memref_squeeze %dma_wait3A_358 : memref<1x!tpu.dma_semaphore, #tpu.memory_space<semaphore_mem>> -> memref<!tpu.dma_semaphore, #tpu.memory_space<semaphore_mem>>
    %dma_wait3A_360 = arith.constant 0 : i32
    %dma_wait3A_361 = arith.constant 0 : i32
    %dma_wait3A_362 = tpu.memref_slice %arg4[%add3A_347, %dma_wait3A_360, %dma_wait3A_361] : memref<6400x128x64xf32, #tpu.memory_space<hbm>> -> memref<1x128x64xf32, #tpu.memory_space<hbm>>
    %dma_wait3A_363 = tpu.memref_squeeze %dma_wait3A_362 : memref<1x128x64xf32, #tpu.memory_space<hbm>> -> memref<128x64xf32, #tpu.memory_space<hbm>>
    %dma_wait3A_364 = arith.constant 0 : i32
    %dma_wait3A_365 = arith.constant 0 : i32
    %dma_wait3A_366 = tpu.memref_slice %arg6[%dma_wait3A_348, %dma_wait3A_364, %dma_wait3A_365] : memref<8x128x64xf32, #tpu.memory_space<vmem>> -> memref<1x128x64xf32, #tpu.memory_space<vmem>>
    %dma_wait3A_367 = tpu.memref_squeeze %dma_wait3A_366 : memref<1x128x64xf32, #tpu.memory_space<vmem>> -> memref<128x64xf32, #tpu.memory_space<vmem>>
    tpu.wait_dma2 semaphore(%dma_wait3A_359 : memref<!tpu.dma_semaphore, #tpu.memory_space<semaphore_mem>>) src(%dma_wait3A_367 : memref<128x64xf32, #tpu.memory_space<vmem>>) dst(%dma_wait3A_363 : memref<128x64xf32, #tpu.memory_space<hbm>>)
    %add3A_368 = arith.constant 197 : i32
    %add3A_369 = arith.addi %mul3A_2, %add3A_368 : i32
    %dma_start3A_370 = arith.constant 5 : i32
    %dma_start3A_371 = arith.constant 5 : i32
    %dma_start3A_372 = arith.constant 0 : i32
    %dma_start3A_373 = arith.constant 0 : i32
    %dma_start3A_374 = tpu.memref_slice %arg6[%dma_start3A_370, %dma_start3A_372, %dma_start3A_373] : memref<8x128x64xf32, #tpu.memory_space<vmem>> -> memref<1x128x64xf32, #tpu.memory_space<vmem>>
    %dma_start3A_375 = tpu.memref_squeeze %dma_start3A_374 : memref<1x128x64xf32, #tpu.memory_space<vmem>> -> memref<128x64xf32, #tpu.memory_space<vmem>>
    %dma_start3A_376 = arith.constant 0 : i32
    %dma_start3A_377 = arith.constant 0 : i32
    %dma_start3A_378 = tpu.memref_slice %arg4[%add3A_369, %dma_start3A_376, %dma_start3A_377] : memref<6400x128x64xf32, #tpu.memory_space<hbm>> -> memref<1x128x64xf32, #tpu.memory_space<hbm>>
    %dma_start3A_379 = tpu.memref_squeeze %dma_start3A_378 : memref<1x128x64xf32, #tpu.memory_space<hbm>> -> memref<128x64xf32, #tpu.memory_space<hbm>>
    %dma_start3A_380 = tpu.memref_slice %arg8[%dma_start3A_371] : memref<8x!tpu.dma_semaphore, #tpu.memory_space<semaphore_mem>> -> memref<1x!tpu.dma_semaphore, #tpu.memory_space<semaphore_mem>>
    %dma_start3A_381 = tpu.memref_squeeze %dma_start3A_380 : memref<1x!tpu.dma_semaphore, #tpu.memory_space<semaphore_mem>> -> memref<!tpu.dma_semaphore, #tpu.memory_space<semaphore_mem>>
    %dma_start3A_382 = arith.constant 0 : i32
    %dma_start3A_383 = arith.constant 0 : i32
    %dma_start3A_384 = tpu.memref_slice %arg4[%add3A_369, %dma_start3A_382, %dma_start3A_383] : memref<6400x128x64xf32, #tpu.memory_space<hbm>> -> memref<1x128x64xf32, #tpu.memory_space<hbm>>
    %dma_start3A_385 = tpu.memref_squeeze %dma_start3A_384 : memref<1x128x64xf32, #tpu.memory_space<hbm>> -> memref<128x64xf32, #tpu.memory_space<hbm>>
    %dma_start3A_386 = arith.constant 0 : i32
    %dma_start3A_387 = arith.constant 0 : i32
    %dma_start3A_388 = tpu.memref_slice %arg6[%dma_start3A_370, %dma_start3A_386, %dma_start3A_387] : memref<8x128x64xf32, #tpu.memory_space<vmem>> -> memref<1x128x64xf32, #tpu.memory_space<vmem>>
    %dma_start3A_389 = tpu.memref_squeeze %dma_start3A_388 : memref<1x128x64xf32, #tpu.memory_space<vmem>> -> memref<128x64xf32, #tpu.memory_space<vmem>>
    tpu.enqueue_dma source(%dma_start3A_389 : memref<128x64xf32, #tpu.memory_space<vmem>>) target(%dma_start3A_385 : memref<128x64xf32, #tpu.memory_space<hbm>>) target_semaphore(%dma_start3A_381 : memref<!tpu.dma_semaphore, #tpu.memory_space<semaphore_mem>>)
    %add3A_390 = arith.constant 198 : i32
    %add3A_391 = arith.addi %mul3A_2, %add3A_390 : i32
    %dma_wait3A_392 = arith.constant 6 : i32
    %dma_wait3A_393 = arith.constant 6 : i32
    %dma_wait3A_394 = arith.constant 0 : i32
    %dma_wait3A_395 = arith.constant 0 : i32
    %dma_wait3A_396 = tpu.memref_slice %arg6[%dma_wait3A_392, %dma_wait3A_394, %dma_wait3A_395] : memref<8x128x64xf32, #tpu.memory_space<vmem>> -> memref<1x128x64xf32, #tpu.memory_space<vmem>>
    %dma_wait3A_397 = tpu.memref_squeeze %dma_wait3A_396 : memref<1x128x64xf32, #tpu.memory_space<vmem>> -> memref<128x64xf32, #tpu.memory_space<vmem>>
    %dma_wait3A_398 = arith.constant 0 : i32
    %dma_wait3A_399 = arith.constant 0 : i32
    %dma_wait3A_400 = tpu.memref_slice %arg4[%add3A_391, %dma_wait3A_398, %dma_wait3A_399] : memref<6400x128x64xf32, #tpu.memory_space<hbm>> -> memref<1x128x64xf32, #tpu.memory_space<hbm>>
    %dma_wait3A_401 = tpu.memref_squeeze %dma_wait3A_400 : memref<1x128x64xf32, #tpu.memory_space<hbm>> -> memref<128x64xf32, #tpu.memory_space<hbm>>
    %dma_wait3A_402 = tpu.memref_slice %arg7[%dma_wait3A_393] : memref<8x!tpu.dma_semaphore, #tpu.memory_space<semaphore_mem>> -> memref<1x!tpu.dma_semaphore, #tpu.memory_space<semaphore_mem>>
    %dma_wait3A_403 = tpu.memref_squeeze %dma_wait3A_402 : memref<1x!tpu.dma_semaphore, #tpu.memory_space<semaphore_mem>> -> memref<!tpu.dma_semaphore, #tpu.memory_space<semaphore_mem>>
    %dma_wait3A_404 = arith.constant 0 : i32
    %dma_wait3A_405 = arith.constant 0 : i32
    %dma_wait3A_406 = tpu.memref_slice %arg4[%add3A_391, %dma_wait3A_404, %dma_wait3A_405] : memref<6400x128x64xf32, #tpu.memory_space<hbm>> -> memref<1x128x64xf32, #tpu.memory_space<hbm>>
    %dma_wait3A_407 = tpu.memref_squeeze %dma_wait3A_406 : memref<1x128x64xf32, #tpu.memory_space<hbm>> -> memref<128x64xf32, #tpu.memory_space<hbm>>
    %dma_wait3A_408 = arith.constant 0 : i32
    %dma_wait3A_409 = arith.constant 0 : i32
    %dma_wait3A_410 = tpu.memref_slice %arg6[%dma_wait3A_392, %dma_wait3A_408, %dma_wait3A_409] : memref<8x128x64xf32, #tpu.memory_space<vmem>> -> memref<1x128x64xf32, #tpu.memory_space<vmem>>
    %dma_wait3A_411 = tpu.memref_squeeze %dma_wait3A_410 : memref<1x128x64xf32, #tpu.memory_space<vmem>> -> memref<128x64xf32, #tpu.memory_space<vmem>>
    tpu.wait_dma2 semaphore(%dma_wait3A_403 : memref<!tpu.dma_semaphore, #tpu.memory_space<semaphore_mem>>) src(%dma_wait3A_411 : memref<128x64xf32, #tpu.memory_space<vmem>>) dst(%dma_wait3A_407 : memref<128x64xf32, #tpu.memory_space<hbm>>)
    %add3A_412 = arith.constant 198 : i32
    %add3A_413 = arith.addi %mul3A_2, %add3A_412 : i32
    %dma_start3A_414 = arith.constant 6 : i32
    %dma_start3A_415 = arith.constant 6 : i32
    %dma_start3A_416 = arith.constant 0 : i32
    %dma_start3A_417 = arith.constant 0 : i32
    %dma_start3A_418 = tpu.memref_slice %arg6[%dma_start3A_414, %dma_start3A_416, %dma_start3A_417] : memref<8x128x64xf32, #tpu.memory_space<vmem>> -> memref<1x128x64xf32, #tpu.memory_space<vmem>>
    %dma_start3A_419 = tpu.memref_squeeze %dma_start3A_418 : memref<1x128x64xf32, #tpu.memory_space<vmem>> -> memref<128x64xf32, #tpu.memory_space<vmem>>
    %dma_start3A_420 = arith.constant 0 : i32
    %dma_start3A_421 = arith.constant 0 : i32
    %dma_start3A_422 = tpu.memref_slice %arg4[%add3A_413, %dma_start3A_420, %dma_start3A_421] : memref<6400x128x64xf32, #tpu.memory_space<hbm>> -> memref<1x128x64xf32, #tpu.memory_space<hbm>>
    %dma_start3A_423 = tpu.memref_squeeze %dma_start3A_422 : memref<1x128x64xf32, #tpu.memory_space<hbm>> -> memref<128x64xf32, #tpu.memory_space<hbm>>
    %dma_start3A_424 = tpu.memref_slice %arg8[%dma_start3A_415] : memref<8x!tpu.dma_semaphore, #tpu.memory_space<semaphore_mem>> -> memref<1x!tpu.dma_semaphore, #tpu.memory_space<semaphore_mem>>
    %dma_start3A_425 = tpu.memref_squeeze %dma_start3A_424 : memref<1x!tpu.dma_semaphore, #tpu.memory_space<semaphore_mem>> -> memref<!tpu.dma_semaphore, #tpu.memory_space<semaphore_mem>>
    %dma_start3A_426 = arith.constant 0 : i32
    %dma_start3A_427 = arith.constant 0 : i32
    %dma_start3A_428 = tpu.memref_slice %arg4[%add3A_413, %dma_start3A_426, %dma_start3A_427] : memref<6400x128x64xf32, #tpu.memory_space<hbm>> -> memref<1x128x64xf32, #tpu.memory_space<hbm>>
    %dma_start3A_429 = tpu.memref_squeeze %dma_start3A_428 : memref<1x128x64xf32, #tpu.memory_space<hbm>> -> memref<128x64xf32, #tpu.memory_space<hbm>>
    %dma_start3A_430 = arith.constant 0 : i32
    %dma_start3A_431 = arith.constant 0 : i32
    %dma_start3A_432 = tpu.memref_slice %arg6[%dma_start3A_414, %dma_start3A_430, %dma_start3A_431] : memref<8x128x64xf32, #tpu.memory_space<vmem>> -> memref<1x128x64xf32, #tpu.memory_space<vmem>>
    %dma_start3A_433 = tpu.memref_squeeze %dma_start3A_432 : memref<1x128x64xf32, #tpu.memory_space<vmem>> -> memref<128x64xf32, #tpu.memory_space<vmem>>
    tpu.enqueue_dma source(%dma_start3A_433 : memref<128x64xf32, #tpu.memory_space<vmem>>) target(%dma_start3A_429 : memref<128x64xf32, #tpu.memory_space<hbm>>) target_semaphore(%dma_start3A_425 : memref<!tpu.dma_semaphore, #tpu.memory_space<semaphore_mem>>)
    %add3A_434 = arith.constant 199 : i32
    %add3A_435 = arith.addi %mul3A_2, %add3A_434 : i32
    %dma_wait3A_436 = arith.constant 7 : i32
    %dma_wait3A_437 = arith.constant 7 : i32
    %dma_wait3A_438 = arith.constant 0 : i32
    %dma_wait3A_439 = arith.constant 0 : i32
    %dma_wait3A_440 = tpu.memref_slice %arg6[%dma_wait3A_436, %dma_wait3A_438, %dma_wait3A_439] : memref<8x128x64xf32, #tpu.memory_space<vmem>> -> memref<1x128x64xf32, #tpu.memory_space<vmem>>
    %dma_wait3A_441 = tpu.memref_squeeze %dma_wait3A_440 : memref<1x128x64xf32, #tpu.memory_space<vmem>> -> memref<128x64xf32, #tpu.memory_space<vmem>>
    %dma_wait3A_442 = arith.constant 0 : i32
    %dma_wait3A_443 = arith.constant 0 : i32
    %dma_wait3A_444 = tpu.memref_slice %arg4[%add3A_435, %dma_wait3A_442, %dma_wait3A_443] : memref<6400x128x64xf32, #tpu.memory_space<hbm>> -> memref<1x128x64xf32, #tpu.memory_space<hbm>>
    %dma_wait3A_445 = tpu.memref_squeeze %dma_wait3A_444 : memref<1x128x64xf32, #tpu.memory_space<hbm>> -> memref<128x64xf32, #tpu.memory_space<hbm>>
    %dma_wait3A_446 = tpu.memref_slice %arg7[%dma_wait3A_437] : memref<8x!tpu.dma_semaphore, #tpu.memory_space<semaphore_mem>> -> memref<1x!tpu.dma_semaphore, #tpu.memory_space<semaphore_mem>>
    %dma_wait3A_447 = tpu.memref_squeeze %dma_wait3A_446 : memref<1x!tpu.dma_semaphore, #tpu.memory_space<semaphore_mem>> -> memref<!tpu.dma_semaphore, #tpu.memory_space<semaphore_mem>>
    %dma_wait3A_448 = arith.constant 0 : i32
    %dma_wait3A_449 = arith.constant 0 : i32
    %dma_wait3A_450 = tpu.memref_slice %arg4[%add3A_435, %dma_wait3A_448, %dma_wait3A_449] : memref<6400x128x64xf32, #tpu.memory_space<hbm>> -> memref<1x128x64xf32, #tpu.memory_space<hbm>>
    %dma_wait3A_451 = tpu.memref_squeeze %dma_wait3A_450 : memref<1x128x64xf32, #tpu.memory_space<hbm>> -> memref<128x64xf32, #tpu.memory_space<hbm>>
    %dma_wait3A_452 = arith.constant 0 : i32
    %dma_wait3A_453 = arith.constant 0 : i32
    %dma_wait3A_454 = tpu.memref_slice %arg6[%dma_wait3A_436, %dma_wait3A_452, %dma_wait3A_453] : memref<8x128x64xf32, #tpu.memory_space<vmem>> -> memref<1x128x64xf32, #tpu.memory_space<vmem>>
    %dma_wait3A_455 = tpu.memref_squeeze %dma_wait3A_454 : memref<1x128x64xf32, #tpu.memory_space<vmem>> -> memref<128x64xf32, #tpu.memory_space<vmem>>
    tpu.wait_dma2 semaphore(%dma_wait3A_447 : memref<!tpu.dma_semaphore, #tpu.memory_space<semaphore_mem>>) src(%dma_wait3A_455 : memref<128x64xf32, #tpu.memory_space<vmem>>) dst(%dma_wait3A_451 : memref<128x64xf32, #tpu.memory_space<hbm>>)
    %add3A_456 = arith.constant 199 : i32
    %add3A_457 = arith.addi %mul3A_2, %add3A_456 : i32
    %dma_start3A_458 = arith.constant 7 : i32
    %dma_start3A_459 = arith.constant 7 : i32
    %dma_start3A_460 = arith.constant 0 : i32
    %dma_start3A_461 = arith.constant 0 : i32
    %dma_start3A_462 = tpu.memref_slice %arg6[%dma_start3A_458, %dma_start3A_460, %dma_start3A_461] : memref<8x128x64xf32, #tpu.memory_space<vmem>> -> memref<1x128x64xf32, #tpu.memory_space<vmem>>
    %dma_start3A_463 = tpu.memref_squeeze %dma_start3A_462 : memref<1x128x64xf32, #tpu.memory_space<vmem>> -> memref<128x64xf32, #tpu.memory_space<vmem>>
    %dma_start3A_464 = arith.constant 0 : i32
    %dma_start3A_465 = arith.constant 0 : i32
    %dma_start3A_466 = tpu.memref_slice %arg4[%add3A_457, %dma_start3A_464, %dma_start3A_465] : memref<6400x128x64xf32, #tpu.memory_space<hbm>> -> memref<1x128x64xf32, #tpu.memory_space<hbm>>
    %dma_start3A_467 = tpu.memref_squeeze %dma_start3A_466 : memref<1x128x64xf32, #tpu.memory_space<hbm>> -> memref<128x64xf32, #tpu.memory_space<hbm>>
    %dma_start3A_468 = tpu.memref_slice %arg8[%dma_start3A_459] : memref<8x!tpu.dma_semaphore, #tpu.memory_space<semaphore_mem>> -> memref<1x!tpu.dma_semaphore, #tpu.memory_space<semaphore_mem>>
    %dma_start3A_469 = tpu.memref_squeeze %dma_start3A_468 : memref<1x!tpu.dma_semaphore, #tpu.memory_space<semaphore_mem>> -> memref<!tpu.dma_semaphore, #tpu.memory_space<semaphore_mem>>
    %dma_start3A_470 = arith.constant 0 : i32
    %dma_start3A_471 = arith.constant 0 : i32
    %dma_start3A_472 = tpu.memref_slice %arg4[%add3A_457, %dma_start3A_470, %dma_start3A_471] : memref<6400x128x64xf32, #tpu.memory_space<hbm>> -> memref<1x128x64xf32, #tpu.memory_space<hbm>>
    %dma_start3A_473 = tpu.memref_squeeze %dma_start3A_472 : memref<1x128x64xf32, #tpu.memory_space<hbm>> -> memref<128x64xf32, #tpu.memory_space<hbm>>
    %dma_start3A_474 = arith.constant 0 : i32
    %dma_start3A_475 = arith.constant 0 : i32
    %dma_start3A_476 = tpu.memref_slice %arg6[%dma_start3A_458, %dma_start3A_474, %dma_start3A_475] : memref<8x128x64xf32, #tpu.memory_space<vmem>> -> memref<1x128x64xf32, #tpu.memory_space<vmem>>
    %dma_start3A_477 = tpu.memref_squeeze %dma_start3A_476 : memref<1x128x64xf32, #tpu.memory_space<vmem>> -> memref<128x64xf32, #tpu.memory_space<vmem>>
    tpu.enqueue_dma source(%dma_start3A_477 : memref<128x64xf32, #tpu.memory_space<vmem>>) target(%dma_start3A_473 : memref<128x64xf32, #tpu.memory_space<hbm>>) target_semaphore(%dma_start3A_469 : memref<!tpu.dma_semaphore, #tpu.memory_space<semaphore_mem>>)
    %dma_wait3A_478 = arith.constant 0 : i32
    %dma_wait3A_479 = arith.constant 0 : i32
    %dma_wait3A_480 = arith.constant 0 : i32
    %dma_wait3A_481 = arith.constant 0 : i32
    %dma_wait3A_482 = arith.constant 0 : i32
    %dma_wait3A_483 = tpu.memref_slice %arg6[%dma_wait3A_478, %dma_wait3A_481, %dma_wait3A_482] : memref<8x128x64xf32, #tpu.memory_space<vmem>> -> memref<1x128x64xf32, #tpu.memory_space<vmem>>
    %dma_wait3A_484 = tpu.memref_squeeze %dma_wait3A_483 : memref<1x128x64xf32, #tpu.memory_space<vmem>> -> memref<128x64xf32, #tpu.memory_space<vmem>>
    %dma_wait3A_485 = arith.constant 0 : i32
    %dma_wait3A_486 = arith.constant 0 : i32
    %dma_wait3A_487 = tpu.memref_slice %arg4[%dma_wait3A_479, %dma_wait3A_485, %dma_wait3A_486] : memref<6400x128x64xf32, #tpu.memory_space<hbm>> -> memref<1x128x64xf32, #tpu.memory_space<hbm>>
    %dma_wait3A_488 = tpu.memref_squeeze %dma_wait3A_487 : memref<1x128x64xf32, #tpu.memory_space<hbm>> -> memref<128x64xf32, #tpu.memory_space<hbm>>
    %dma_wait3A_489 = tpu.memref_slice %arg8[%dma_wait3A_480] : memref<8x!tpu.dma_semaphore, #tpu.memory_space<semaphore_mem>> -> memref<1x!tpu.dma_semaphore, #tpu.memory_space<semaphore_mem>>
    %dma_wait3A_490 = tpu.memref_squeeze %dma_wait3A_489 : memref<1x!tpu.dma_semaphore, #tpu.memory_space<semaphore_mem>> -> memref<!tpu.dma_semaphore, #tpu.memory_space<semaphore_mem>>
    %dma_wait3A_491 = arith.constant 0 : i32
    %dma_wait3A_492 = arith.constant 0 : i32
    %dma_wait3A_493 = tpu.memref_slice %arg4[%dma_wait3A_479, %dma_wait3A_491, %dma_wait3A_492] : memref<6400x128x64xf32, #tpu.memory_space<hbm>> -> memref<1x128x64xf32, #tpu.memory_space<hbm>>
    %dma_wait3A_494 = tpu.memref_squeeze %dma_wait3A_493 : memref<1x128x64xf32, #tpu.memory_space<hbm>> -> memref<128x64xf32, #tpu.memory_space<hbm>>
    %dma_wait3A_495 = arith.constant 0 : i32
    %dma_wait3A_496 = arith.constant 0 : i32
    %dma_wait3A_497 = tpu.memref_slice %arg6[%dma_wait3A_478, %dma_wait3A_495, %dma_wait3A_496] : memref<8x128x64xf32, #tpu.memory_space<vmem>> -> memref<1x128x64xf32, #tpu.memory_space<vmem>>
    %dma_wait3A_498 = tpu.memref_squeeze %dma_wait3A_497 : memref<1x128x64xf32, #tpu.memory_space<vmem>> -> memref<128x64xf32, #tpu.memory_space<vmem>>
    tpu.wait_dma2 semaphore(%dma_wait3A_490 : memref<!tpu.dma_semaphore, #tpu.memory_space<semaphore_mem>>) src(%dma_wait3A_498 : memref<128x64xf32, #tpu.memory_space<vmem>>) dst(%dma_wait3A_494 : memref<128x64xf32, #tpu.memory_space<hbm>>)
    %dma_wait3A_499 = arith.constant 1 : i32
    %dma_wait3A_500 = arith.constant 0 : i32
    %dma_wait3A_501 = arith.constant 1 : i32
    %dma_wait3A_502 = arith.constant 0 : i32
    %dma_wait3A_503 = arith.constant 0 : i32
    %dma_wait3A_504 = tpu.memref_slice %arg6[%dma_wait3A_499, %dma_wait3A_502, %dma_wait3A_503] : memref<8x128x64xf32, #tpu.memory_space<vmem>> -> memref<1x128x64xf32, #tpu.memory_space<vmem>>
    %dma_wait3A_505 = tpu.memref_squeeze %dma_wait3A_504 : memref<1x128x64xf32, #tpu.memory_space<vmem>> -> memref<128x64xf32, #tpu.memory_space<vmem>>
    %dma_wait3A_506 = arith.constant 0 : i32
    %dma_wait3A_507 = arith.constant 0 : i32
    %dma_wait3A_508 = tpu.memref_slice %arg4[%dma_wait3A_500, %dma_wait3A_506, %dma_wait3A_507] : memref<6400x128x64xf32, #tpu.memory_space<hbm>> -> memref<1x128x64xf32, #tpu.memory_space<hbm>>
    %dma_wait3A_509 = tpu.memref_squeeze %dma_wait3A_508 : memref<1x128x64xf32, #tpu.memory_space<hbm>> -> memref<128x64xf32, #tpu.memory_space<hbm>>
    %dma_wait3A_510 = tpu.memref_slice %arg8[%dma_wait3A_501] : memref<8x!tpu.dma_semaphore, #tpu.memory_space<semaphore_mem>> -> memref<1x!tpu.dma_semaphore, #tpu.memory_space<semaphore_mem>>
    %dma_wait3A_511 = tpu.memref_squeeze %dma_wait3A_510 : memref<1x!tpu.dma_semaphore, #tpu.memory_space<semaphore_mem>> -> memref<!tpu.dma_semaphore, #tpu.memory_space<semaphore_mem>>
    %dma_wait3A_512 = arith.constant 0 : i32
    %dma_wait3A_513 = arith.constant 0 : i32
    %dma_wait3A_514 = tpu.memref_slice %arg4[%dma_wait3A_500, %dma_wait3A_512, %dma_wait3A_513] : memref<6400x128x64xf32, #tpu.memory_space<hbm>> -> memref<1x128x64xf32, #tpu.memory_space<hbm>>
    %dma_wait3A_515 = tpu.memref_squeeze %dma_wait3A_514 : memref<1x128x64xf32, #tpu.memory_space<hbm>> -> memref<128x64xf32, #tpu.memory_space<hbm>>
    %dma_wait3A_516 = arith.constant 0 : i32
    %dma_wait3A_517 = arith.constant 0 : i32
    %dma_wait3A_518 = tpu.memref_slice %arg6[%dma_wait3A_499, %dma_wait3A_516, %dma_wait3A_517] : memref<8x128x64xf32, #tpu.memory_space<vmem>> -> memref<1x128x64xf32, #tpu.memory_space<vmem>>
    %dma_wait3A_519 = tpu.memref_squeeze %dma_wait3A_518 : memref<1x128x64xf32, #tpu.memory_space<vmem>> -> memref<128x64xf32, #tpu.memory_space<vmem>>
    tpu.wait_dma2 semaphore(%dma_wait3A_511 : memref<!tpu.dma_semaphore, #tpu.memory_space<semaphore_mem>>) src(%dma_wait3A_519 : memref<128x64xf32, #tpu.memory_space<vmem>>) dst(%dma_wait3A_515 : memref<128x64xf32, #tpu.memory_space<hbm>>)
    %dma_wait3A_520 = arith.constant 2 : i32
    %dma_wait3A_521 = arith.constant 0 : i32
    %dma_wait3A_522 = arith.constant 2 : i32
    %dma_wait3A_523 = arith.constant 0 : i32
    %dma_wait3A_524 = arith.constant 0 : i32
    %dma_wait3A_525 = tpu.memref_slice %arg6[%dma_wait3A_520, %dma_wait3A_523, %dma_wait3A_524] : memref<8x128x64xf32, #tpu.memory_space<vmem>> -> memref<1x128x64xf32, #tpu.memory_space<vmem>>
    %dma_wait3A_526 = tpu.memref_squeeze %dma_wait3A_525 : memref<1x128x64xf32, #tpu.memory_space<vmem>> -> memref<128x64xf32, #tpu.memory_space<vmem>>
    %dma_wait3A_527 = arith.constant 0 : i32
    %dma_wait3A_528 = arith.constant 0 : i32
    %dma_wait3A_529 = tpu.memref_slice %arg4[%dma_wait3A_521, %dma_wait3A_527, %dma_wait3A_528] : memref<6400x128x64xf32, #tpu.memory_space<hbm>> -> memref<1x128x64xf32, #tpu.memory_space<hbm>>
    %dma_wait3A_530 = tpu.memref_squeeze %dma_wait3A_529 : memref<1x128x64xf32, #tpu.memory_space<hbm>> -> memref<128x64xf32, #tpu.memory_space<hbm>>
    %dma_wait3A_531 = tpu.memref_slice %arg8[%dma_wait3A_522] : memref<8x!tpu.dma_semaphore, #tpu.memory_space<semaphore_mem>> -> memref<1x!tpu.dma_semaphore, #tpu.memory_space<semaphore_mem>>
    %dma_wait3A_532 = tpu.memref_squeeze %dma_wait3A_531 : memref<1x!tpu.dma_semaphore, #tpu.memory_space<semaphore_mem>> -> memref<!tpu.dma_semaphore, #tpu.memory_space<semaphore_mem>>
    %dma_wait3A_533 = arith.constant 0 : i32
    %dma_wait3A_534 = arith.constant 0 : i32
    %dma_wait3A_535 = tpu.memref_slice %arg4[%dma_wait3A_521, %dma_wait3A_533, %dma_wait3A_534] : memref<6400x128x64xf32, #tpu.memory_space<hbm>> -> memref<1x128x64xf32, #tpu.memory_space<hbm>>
    %dma_wait3A_536 = tpu.memref_squeeze %dma_wait3A_535 : memref<1x128x64xf32, #tpu.memory_space<hbm>> -> memref<128x64xf32, #tpu.memory_space<hbm>>
    %dma_wait3A_537 = arith.constant 0 : i32
    %dma_wait3A_538 = arith.constant 0 : i32
    %dma_wait3A_539 = tpu.memref_slice %arg6[%dma_wait3A_520, %dma_wait3A_537, %dma_wait3A_538] : memref<8x128x64xf32, #tpu.memory_space<vmem>> -> memref<1x128x64xf32, #tpu.memory_space<vmem>>
    %dma_wait3A_540 = tpu.memref_squeeze %dma_wait3A_539 : memref<1x128x64xf32, #tpu.memory_space<vmem>> -> memref<128x64xf32, #tpu.memory_space<vmem>>
    tpu.wait_dma2 semaphore(%dma_wait3A_532 : memref<!tpu.dma_semaphore, #tpu.memory_space<semaphore_mem>>) src(%dma_wait3A_540 : memref<128x64xf32, #tpu.memory_space<vmem>>) dst(%dma_wait3A_536 : memref<128x64xf32, #tpu.memory_space<hbm>>)
    %dma_wait3A_541 = arith.constant 3 : i32
    %dma_wait3A_542 = arith.constant 0 : i32
    %dma_wait3A_543 = arith.constant 3 : i32
    %dma_wait3A_544 = arith.constant 0 : i32
    %dma_wait3A_545 = arith.constant 0 : i32
    %dma_wait3A_546 = tpu.memref_slice %arg6[%dma_wait3A_541, %dma_wait3A_544, %dma_wait3A_545] : memref<8x128x64xf32, #tpu.memory_space<vmem>> -> memref<1x128x64xf32, #tpu.memory_space<vmem>>
    %dma_wait3A_547 = tpu.memref_squeeze %dma_wait3A_546 : memref<1x128x64xf32, #tpu.memory_space<vmem>> -> memref<128x64xf32, #tpu.memory_space<vmem>>
    %dma_wait3A_548 = arith.constant 0 : i32
    %dma_wait3A_549 = arith.constant 0 : i32
    %dma_wait3A_550 = tpu.memref_slice %arg4[%dma_wait3A_542, %dma_wait3A_548, %dma_wait3A_549] : memref<6400x128x64xf32, #tpu.memory_space<hbm>> -> memref<1x128x64xf32, #tpu.memory_space<hbm>>
    %dma_wait3A_551 = tpu.memref_squeeze %dma_wait3A_550 : memref<1x128x64xf32, #tpu.memory_space<hbm>> -> memref<128x64xf32, #tpu.memory_space<hbm>>
    %dma_wait3A_552 = tpu.memref_slice %arg8[%dma_wait3A_543] : memref<8x!tpu.dma_semaphore, #tpu.memory_space<semaphore_mem>> -> memref<1x!tpu.dma_semaphore, #tpu.memory_space<semaphore_mem>>
    %dma_wait3A_553 = tpu.memref_squeeze %dma_wait3A_552 : memref<1x!tpu.dma_semaphore, #tpu.memory_space<semaphore_mem>> -> memref<!tpu.dma_semaphore, #tpu.memory_space<semaphore_mem>>
    %dma_wait3A_554 = arith.constant 0 : i32
    %dma_wait3A_555 = arith.constant 0 : i32
    %dma_wait3A_556 = tpu.memref_slice %arg4[%dma_wait3A_542, %dma_wait3A_554, %dma_wait3A_555] : memref<6400x128x64xf32, #tpu.memory_space<hbm>> -> memref<1x128x64xf32, #tpu.memory_space<hbm>>
    %dma_wait3A_557 = tpu.memref_squeeze %dma_wait3A_556 : memref<1x128x64xf32, #tpu.memory_space<hbm>> -> memref<128x64xf32, #tpu.memory_space<hbm>>
    %dma_wait3A_558 = arith.constant 0 : i32
    %dma_wait3A_559 = arith.constant 0 : i32
    %dma_wait3A_560 = tpu.memref_slice %arg6[%dma_wait3A_541, %dma_wait3A_558, %dma_wait3A_559] : memref<8x128x64xf32, #tpu.memory_space<vmem>> -> memref<1x128x64xf32, #tpu.memory_space<vmem>>
    %dma_wait3A_561 = tpu.memref_squeeze %dma_wait3A_560 : memref<1x128x64xf32, #tpu.memory_space<vmem>> -> memref<128x64xf32, #tpu.memory_space<vmem>>
    tpu.wait_dma2 semaphore(%dma_wait3A_553 : memref<!tpu.dma_semaphore, #tpu.memory_space<semaphore_mem>>) src(%dma_wait3A_561 : memref<128x64xf32, #tpu.memory_space<vmem>>) dst(%dma_wait3A_557 : memref<128x64xf32, #tpu.memory_space<hbm>>)
    %dma_wait3A_562 = arith.constant 4 : i32
    %dma_wait3A_563 = arith.constant 0 : i32
    %dma_wait3A_564 = arith.constant 4 : i32
    %dma_wait3A_565 = arith.constant 0 : i32
    %dma_wait3A_566 = arith.constant 0 : i32
    %dma_wait3A_567 = tpu.memref_slice %arg6[%dma_wait3A_562, %dma_wait3A_565, %dma_wait3A_566] : memref<8x128x64xf32, #tpu.memory_space<vmem>> -> memref<1x128x64xf32, #tpu.memory_space<vmem>>
    %dma_wait3A_568 = tpu.memref_squeeze %dma_wait3A_567 : memref<1x128x64xf32, #tpu.memory_space<vmem>> -> memref<128x64xf32, #tpu.memory_space<vmem>>
    %dma_wait3A_569 = arith.constant 0 : i32
    %dma_wait3A_570 = arith.constant 0 : i32
    %dma_wait3A_571 = tpu.memref_slice %arg4[%dma_wait3A_563, %dma_wait3A_569, %dma_wait3A_570] : memref<6400x128x64xf32, #tpu.memory_space<hbm>> -> memref<1x128x64xf32, #tpu.memory_space<hbm>>
    %dma_wait3A_572 = tpu.memref_squeeze %dma_wait3A_571 : memref<1x128x64xf32, #tpu.memory_space<hbm>> -> memref<128x64xf32, #tpu.memory_space<hbm>>
    %dma_wait3A_573 = tpu.memref_slice %arg8[%dma_wait3A_564] : memref<8x!tpu.dma_semaphore, #tpu.memory_space<semaphore_mem>> -> memref<1x!tpu.dma_semaphore, #tpu.memory_space<semaphore_mem>>
    %dma_wait3A_574 = tpu.memref_squeeze %dma_wait3A_573 : memref<1x!tpu.dma_semaphore, #tpu.memory_space<semaphore_mem>> -> memref<!tpu.dma_semaphore, #tpu.memory_space<semaphore_mem>>
    %dma_wait3A_575 = arith.constant 0 : i32
    %dma_wait3A_576 = arith.constant 0 : i32
    %dma_wait3A_577 = tpu.memref_slice %arg4[%dma_wait3A_563, %dma_wait3A_575, %dma_wait3A_576] : memref<6400x128x64xf32, #tpu.memory_space<hbm>> -> memref<1x128x64xf32, #tpu.memory_space<hbm>>
    %dma_wait3A_578 = tpu.memref_squeeze %dma_wait3A_577 : memref<1x128x64xf32, #tpu.memory_space<hbm>> -> memref<128x64xf32, #tpu.memory_space<hbm>>
    %dma_wait3A_579 = arith.constant 0 : i32
    %dma_wait3A_580 = arith.constant 0 : i32
    %dma_wait3A_581 = tpu.memref_slice %arg6[%dma_wait3A_562, %dma_wait3A_579, %dma_wait3A_580] : memref<8x128x64xf32, #tpu.memory_space<vmem>> -> memref<1x128x64xf32, #tpu.memory_space<vmem>>
    %dma_wait3A_582 = tpu.memref_squeeze %dma_wait3A_581 : memref<1x128x64xf32, #tpu.memory_space<vmem>> -> memref<128x64xf32, #tpu.memory_space<vmem>>
    tpu.wait_dma2 semaphore(%dma_wait3A_574 : memref<!tpu.dma_semaphore, #tpu.memory_space<semaphore_mem>>) src(%dma_wait3A_582 : memref<128x64xf32, #tpu.memory_space<vmem>>) dst(%dma_wait3A_578 : memref<128x64xf32, #tpu.memory_space<hbm>>)
    %dma_wait3A_583 = arith.constant 5 : i32
    %dma_wait3A_584 = arith.constant 0 : i32
    %dma_wait3A_585 = arith.constant 5 : i32
    %dma_wait3A_586 = arith.constant 0 : i32
    %dma_wait3A_587 = arith.constant 0 : i32
    %dma_wait3A_588 = tpu.memref_slice %arg6[%dma_wait3A_583, %dma_wait3A_586, %dma_wait3A_587] : memref<8x128x64xf32, #tpu.memory_space<vmem>> -> memref<1x128x64xf32, #tpu.memory_space<vmem>>
    %dma_wait3A_589 = tpu.memref_squeeze %dma_wait3A_588 : memref<1x128x64xf32, #tpu.memory_space<vmem>> -> memref<128x64xf32, #tpu.memory_space<vmem>>
    %dma_wait3A_590 = arith.constant 0 : i32
    %dma_wait3A_591 = arith.constant 0 : i32
    %dma_wait3A_592 = tpu.memref_slice %arg4[%dma_wait3A_584, %dma_wait3A_590, %dma_wait3A_591] : memref<6400x128x64xf32, #tpu.memory_space<hbm>> -> memref<1x128x64xf32, #tpu.memory_space<hbm>>
    %dma_wait3A_593 = tpu.memref_squeeze %dma_wait3A_592 : memref<1x128x64xf32, #tpu.memory_space<hbm>> -> memref<128x64xf32, #tpu.memory_space<hbm>>
    %dma_wait3A_594 = tpu.memref_slice %arg8[%dma_wait3A_585] : memref<8x!tpu.dma_semaphore, #tpu.memory_space<semaphore_mem>> -> memref<1x!tpu.dma_semaphore, #tpu.memory_space<semaphore_mem>>
    %dma_wait3A_595 = tpu.memref_squeeze %dma_wait3A_594 : memref<1x!tpu.dma_semaphore, #tpu.memory_space<semaphore_mem>> -> memref<!tpu.dma_semaphore, #tpu.memory_space<semaphore_mem>>
    %dma_wait3A_596 = arith.constant 0 : i32
    %dma_wait3A_597 = arith.constant 0 : i32
    %dma_wait3A_598 = tpu.memref_slice %arg4[%dma_wait3A_584, %dma_wait3A_596, %dma_wait3A_597] : memref<6400x128x64xf32, #tpu.memory_space<hbm>> -> memref<1x128x64xf32, #tpu.memory_space<hbm>>
    %dma_wait3A_599 = tpu.memref_squeeze %dma_wait3A_598 : memref<1x128x64xf32, #tpu.memory_space<hbm>> -> memref<128x64xf32, #tpu.memory_space<hbm>>
    %dma_wait3A_600 = arith.constant 0 : i32
    %dma_wait3A_601 = arith.constant 0 : i32
    %dma_wait3A_602 = tpu.memref_slice %arg6[%dma_wait3A_583, %dma_wait3A_600, %dma_wait3A_601] : memref<8x128x64xf32, #tpu.memory_space<vmem>> -> memref<1x128x64xf32, #tpu.memory_space<vmem>>
    %dma_wait3A_603 = tpu.memref_squeeze %dma_wait3A_602 : memref<1x128x64xf32, #tpu.memory_space<vmem>> -> memref<128x64xf32, #tpu.memory_space<vmem>>
    tpu.wait_dma2 semaphore(%dma_wait3A_595 : memref<!tpu.dma_semaphore, #tpu.memory_space<semaphore_mem>>) src(%dma_wait3A_603 : memref<128x64xf32, #tpu.memory_space<vmem>>) dst(%dma_wait3A_599 : memref<128x64xf32, #tpu.memory_space<hbm>>)
    %dma_wait3A_604 = arith.constant 6 : i32
    %dma_wait3A_605 = arith.constant 0 : i32
    %dma_wait3A_606 = arith.constant 6 : i32
    %dma_wait3A_607 = arith.constant 0 : i32
    %dma_wait3A_608 = arith.constant 0 : i32
    %dma_wait3A_609 = tpu.memref_slice %arg6[%dma_wait3A_604, %dma_wait3A_607, %dma_wait3A_608] : memref<8x128x64xf32, #tpu.memory_space<vmem>> -> memref<1x128x64xf32, #tpu.memory_space<vmem>>
    %dma_wait3A_610 = tpu.memref_squeeze %dma_wait3A_609 : memref<1x128x64xf32, #tpu.memory_space<vmem>> -> memref<128x64xf32, #tpu.memory_space<vmem>>
    %dma_wait3A_611 = arith.constant 0 : i32
    %dma_wait3A_612 = arith.constant 0 : i32
    %dma_wait3A_613 = tpu.memref_slice %arg4[%dma_wait3A_605, %dma_wait3A_611, %dma_wait3A_612] : memref<6400x128x64xf32, #tpu.memory_space<hbm>> -> memref<1x128x64xf32, #tpu.memory_space<hbm>>
    %dma_wait3A_614 = tpu.memref_squeeze %dma_wait3A_613 : memref<1x128x64xf32, #tpu.memory_space<hbm>> -> memref<128x64xf32, #tpu.memory_space<hbm>>
    %dma_wait3A_615 = tpu.memref_slice %arg8[%dma_wait3A_606] : memref<8x!tpu.dma_semaphore, #tpu.memory_space<semaphore_mem>> -> memref<1x!tpu.dma_semaphore, #tpu.memory_space<semaphore_mem>>
    %dma_wait3A_616 = tpu.memref_squeeze %dma_wait3A_615 : memref<1x!tpu.dma_semaphore, #tpu.memory_space<semaphore_mem>> -> memref<!tpu.dma_semaphore, #tpu.memory_space<semaphore_mem>>
    %dma_wait3A_617 = arith.constant 0 : i32
    %dma_wait3A_618 = arith.constant 0 : i32
    %dma_wait3A_619 = tpu.memref_slice %arg4[%dma_wait3A_605, %dma_wait3A_617, %dma_wait3A_618] : memref<6400x128x64xf32, #tpu.memory_space<hbm>> -> memref<1x128x64xf32, #tpu.memory_space<hbm>>
    %dma_wait3A_620 = tpu.memref_squeeze %dma_wait3A_619 : memref<1x128x64xf32, #tpu.memory_space<hbm>> -> memref<128x64xf32, #tpu.memory_space<hbm>>
    %dma_wait3A_621 = arith.constant 0 : i32
    %dma_wait3A_622 = arith.constant 0 : i32
    %dma_wait3A_623 = tpu.memref_slice %arg6[%dma_wait3A_604, %dma_wait3A_621, %dma_wait3A_622] : memref<8x128x64xf32, #tpu.memory_space<vmem>> -> memref<1x128x64xf32, #tpu.memory_space<vmem>>
    %dma_wait3A_624 = tpu.memref_squeeze %dma_wait3A_623 : memref<1x128x64xf32, #tpu.memory_space<vmem>> -> memref<128x64xf32, #tpu.memory_space<vmem>>
    tpu.wait_dma2 semaphore(%dma_wait3A_616 : memref<!tpu.dma_semaphore, #tpu.memory_space<semaphore_mem>>) src(%dma_wait3A_624 : memref<128x64xf32, #tpu.memory_space<vmem>>) dst(%dma_wait3A_620 : memref<128x64xf32, #tpu.memory_space<hbm>>)
    %dma_wait3A_625 = arith.constant 7 : i32
    %dma_wait3A_626 = arith.constant 0 : i32
    %dma_wait3A_627 = arith.constant 7 : i32
    %dma_wait3A_628 = arith.constant 0 : i32
    %dma_wait3A_629 = arith.constant 0 : i32
    %dma_wait3A_630 = tpu.memref_slice %arg6[%dma_wait3A_625, %dma_wait3A_628, %dma_wait3A_629] : memref<8x128x64xf32, #tpu.memory_space<vmem>> -> memref<1x128x64xf32, #tpu.memory_space<vmem>>
    %dma_wait3A_631 = tpu.memref_squeeze %dma_wait3A_630 : memref<1x128x64xf32, #tpu.memory_space<vmem>> -> memref<128x64xf32, #tpu.memory_space<vmem>>
    %dma_wait3A_632 = arith.constant 0 : i32
    %dma_wait3A_633 = arith.constant 0 : i32
    %dma_wait3A_634 = tpu.memref_slice %arg4[%dma_wait3A_626, %dma_wait3A_632, %dma_wait3A_633] : memref<6400x128x64xf32, #tpu.memory_space<hbm>> -> memref<1x128x64xf32, #tpu.memory_space<hbm>>
    %dma_wait3A_635 = tpu.memref_squeeze %dma_wait3A_634 : memref<1x128x64xf32, #tpu.memory_space<hbm>> -> memref<128x64xf32, #tpu.memory_space<hbm>>
    %dma_wait3A_636 = tpu.memref_slice %arg8[%dma_wait3A_627] : memref<8x!tpu.dma_semaphore, #tpu.memory_space<semaphore_mem>> -> memref<1x!tpu.dma_semaphore, #tpu.memory_space<semaphore_mem>>
    %dma_wait3A_637 = tpu.memref_squeeze %dma_wait3A_636 : memref<1x!tpu.dma_semaphore, #tpu.memory_space<semaphore_mem>> -> memref<!tpu.dma_semaphore, #tpu.memory_space<semaphore_mem>>
    %dma_wait3A_638 = arith.constant 0 : i32
    %dma_wait3A_639 = arith.constant 0 : i32
    %dma_wait3A_640 = tpu.memref_slice %arg4[%dma_wait3A_626, %dma_wait3A_638, %dma_wait3A_639] : memref<6400x128x64xf32, #tpu.memory_space<hbm>> -> memref<1x128x64xf32, #tpu.memory_space<hbm>>
    %dma_wait3A_641 = tpu.memref_squeeze %dma_wait3A_640 : memref<1x128x64xf32, #tpu.memory_space<hbm>> -> memref<128x64xf32, #tpu.memory_space<hbm>>
    %dma_wait3A_642 = arith.constant 0 : i32
    %dma_wait3A_643 = arith.constant 0 : i32
    %dma_wait3A_644 = tpu.memref_slice %arg6[%dma_wait3A_625, %dma_wait3A_642, %dma_wait3A_643] : memref<8x128x64xf32, #tpu.memory_space<vmem>> -> memref<1x128x64xf32, #tpu.memory_space<vmem>>
    %dma_wait3A_645 = tpu.memref_squeeze %dma_wait3A_644 : memref<1x128x64xf32, #tpu.memory_space<vmem>> -> memref<128x64xf32, #tpu.memory_space<vmem>>
    tpu.wait_dma2 semaphore(%dma_wait3A_637 : memref<!tpu.dma_semaphore, #tpu.memory_space<semaphore_mem>>) src(%dma_wait3A_645 : memref<128x64xf32, #tpu.memory_space<vmem>>) dst(%dma_wait3A_641 : memref<128x64xf32, #tpu.memory_space<hbm>>)
    return
  }
}

module attributes {stable_mosaic.version = 14 : i64} {
  func.func @body(%arg0: i32, %arg1: memref<3200x128xf32, #tpu.memory_space<vmem>>, %arg2: memref<50x8x1x8x128xf32, #tpu.memory_space<vmem>>) attributes {dimension_semantics = [#tpu.dimension_semantics<arbitrary>], iteration_bounds = array<i64: 128>, scalar_prefetch = 0 : i64, scratch_operands = 0 : i64, tpu.core_type = #tpu.core_type<tc>, window_params = [{transform_indices = @transform_0, window_bounds = array<i64: 3200, 128>}, {transform_indices = @transform_1, window_bounds = array<i64: 50, 8, 1, 8, 128>}]} {
    %get3A = arith.constant 0 : index
    %get3A_0 = arith.constant 0 : index
    %get3A_1 = vector.load %arg1[%get3A, %get3A_0] : memref<3200x128xf32, #tpu.memory_space<vmem>>, vector<3200x128xf32>
    %reshape3A = vector.shape_cast %get3A_1 : vector<3200x128xf32> to vector<128x25x128xf32>
    %transpose3A = tpu.transpose %reshape3A, [1, 0, 2] : vector<128x25x128xf32> -> vector<25x128x128xf32>
    %transpose3A_2 = tpu.transpose %transpose3A, [0, 2, 1] : vector<25x128x128xf32> -> vector<25x128x128xf32>
    %reshape3A_3 = vector.shape_cast %transpose3A_2 : vector<25x128x128xf32> to vector<25x16x8x128xf32>
    %reshape3A_4 = vector.shape_cast %reshape3A_3 : vector<25x16x8x128xf32> to vector<400x8x128xf32>
    %reshape3A_5 = vector.shape_cast %reshape3A_4 : vector<400x8x128xf32> to vector<50x8x8x128xf32>
    %reshape3A_6 = vector.shape_cast %reshape3A_5 : vector<50x8x8x128xf32> to vector<50x8x1x8x128xf32>
    %swap3A = arith.constant 0 : index
    %swap3A_7 = arith.constant 0 : index
    %swap3A_8 = arith.constant 0 : index
    %swap3A_9 = arith.constant 0 : index
    %swap3A_10 = arith.constant 0 : index
    %swap3A_11 = vector.load %arg2[%swap3A, %swap3A_7, %swap3A_8, %swap3A_9, %swap3A_10] : memref<50x8x1x8x128xf32, #tpu.memory_space<vmem>>, vector<50x8x1x8x128xf32>
    tpu.vector_store %arg2[%swap3A, %swap3A_7, %swap3A_8, %swap3A_9, %swap3A_10], %reshape3A_6 {strides = array<i32>} : memref<50x8x1x8x128xf32, #tpu.memory_space<vmem>>, vector<50x8x1x8x128xf32>,
    return
  }
  func.func @transform_0(%arg0: i32) -> (i32, i32) {
    %c0_i32 = arith.constant 0 : i32
    %c0_i32_0 = arith.constant 0 : i32
    return %arg0, %c0_i32 : i32, i32
  }
  func.func @transform_1(%arg0: i32) -> (i32, i32, i32, i32, i32) {
    %c0_i32 = arith.constant 0 : i32
    %c0_i32_0 = arith.constant 0 : i32
    %c0_i32_1 = arith.constant 0 : i32
    %c0_i32_2 = arith.constant 0 : i32
    %c0_i32_3 = arith.constant 0 : i32
    return %c0_i32, %c0_i32_0, %arg0, %c0_i32_1, %c0_i32_2 : i32, i32, i32, i32, i32
  }
}

</mosaic_0001>

<sc_bundles>
// kernel: kernel.4.cloned.1.call-start
scs
__scs_entry_jumppad:
0x0: {  	(pc) =	sbr.rel $0x88, $3  }
0x1: {  	(tag) =	ssettag $0x0;
	lr =	simm.s32 $0x1  }
0x2: {  	[smem:$0x3F9F] =	sst lr;
	_ =	strace $0xD0000000  }
0x3: {  	_ = 	snop  }
0x4: {  	_ = 	snop  }
0x5: {  	_ = 	snop  }
0x6: {  	_ = 	snop  }
0x7: {  	_ = 	snop  }
__scs_overlays_trampoline_lowered:
0x8: {  	[smem:$0x3FAE] =	sst s0  }
0x9: {  	[smem:$0x3FAF] =	sst s1  }
0xa: {  	[smem:$0x3FB0] =	sst s2  }
0xb: {  	[smem:$0x3FB1] =	sst s3  }
0xc: {  	[smem:$0x3FB2] =	sst s4  }
0xd: {  	[smem:$0x3FB3] =	sst s5  }
0xe: {  	[smem:$0x3FB4] =	sst s6  }
0xf: {  	[smem:$0x3FB5] =	sst s7  }
0x10: {  	[smem:$0x3FB6] =	sst s8  }
0x11: {  	[smem:$0x3FB7] =	sst s9;
	s0 =	simm.s32 @!p0 $0x0  }
0x12: {  	s1 =	sld [smem:$0x3F9D];
	s0 =	simm.s32 @p0 $0x1  }
0x13: {  	[smem:$0x3FB8] =	sst s0;
	s0 =	simm.s32 @!p1 $0x0  }
0x14: {  	s2 =	sld [smem:$0x3F9C];
	s0 =	simm.s32 @p1 $0x1  }
0x15: {  	[smem:$0x3FB9] =	sst s0;
	s0 =	simm.s32 @!p2 $0x0  }
0x16: {  	s3 =	sld [smem:$0x3FDB];
	s0 =	simm.s32 @p2 $0x1  }
0x17: {  	s4 =	simm.s32 $0x1BF5;
	[smem:$0x3FBB] =	sst s0  }
0x18: {  	s0 =	sld [smem:$0x3F9E];
	_ =	swait.ge [sflag:s4], $0x0  }
0x19: {  	s7 =	sld [smem:$0x3F9F]  }
0x1a: {  	s8 =	sadd.s32 $0xFFFFE003, lr  }
0x1b: {  	s9 =	sadd.s32 $0xFFFFFEF7, lr;
	s5 =	simm.s32 $0xFFFFFFFF;
	p2 =	slt.u32 s8, $0xFFFFF086  }
0x1c: {  	p1 =	slt.u32 s9, $0xF7A;
	s5 =	simm.s32 @!p2 $0x0  }
0x1d: {  	s5 =	simm.s32 @p1 $0x1;
	p0 =	seq.s32 s7, s2  }
0x1e: {  	s7 =	smul.u32 @!p0 $0xF7A, s2;
	p2 =	seq.s32 @!p0 s5, $0x0  }
0x1f: {  	s9 =	smul.u32 $0xF7A, s1;
	s8 =	simm.s32 @!p0 $0x1BF5;
	p2 =	por !p2, p0  }
0x20: {  	[sflag:s8] =	ssyncset.s32 @!p0 $0xFFFFF086;
	s6 =	sadd.s32 @!p0 s3, s7;
	s7 =	simm.s32 @!p0 $0x108  }
0x21: {  	s3 =	sadd.s32 s3, s9;
	s6 =	sadd.s32 @!p0 $0x88, s6;
	s7 =	simm.s32 @p2 $0x1082  }
0x22: {  	[simem:s7], [sflag:s8] =	dma.local @!p0 [hbm:s6], $0xF7A  }
0x23: {  	s9 =	sor.u32 $0xD0000000, s2;
	s6 =	simm.s32 $0x108;
	_ =	swait.ge @!p0 [sflag:s8], $0x0  }
0x24: {  	s3 =	sadd.s32 $0x88, s3;
	s6 =	simm.s32 @!p1 $0x1082;
	[sflag:s4] =	ssyncset.s32 $0xFFFFF086  }
0x25: {  	[simem:s6], [sflag:s4] =	dma.local [hbm:s3], $0xF7A  }
0x26: {  	[smem:$0x3F9F] =	sst s1;
	(tag) =	ssettag s2;
	_ =	strace s9  }
0x27: {  	s1 =	sld [smem:$0x3FAF]  }
0x28: {  	s2 =	sld [smem:$0x3FB0]  }
0x29: {  	s4 =	sld [smem:$0x3FB2]  }
0x2a: {  	p0 =	seq.s32 s5, $0x0;
	s5 =	sld [smem:$0x3FB3]  }
0x2b: {  	s6 =	sld [smem:$0x3FB4]  }
0x2c: {  	s7 =	sld [smem:$0x3FB5]  }
0x2d: {  	s3 =	simm.s32 $0x108;
	s8 =	sld [smem:$0x3FB6]  }
0x2e: {  	s3 =	simm.s32 @!p0 $0x1082;
	s9 =	sld [smem:$0x3FB7]  }
0x2f: {  	lr =	sadd.s32 s0, s3;
	s0 =	sld [smem:$0x3FAE]  }
0x30: {  	s3 =	sld [smem:$0x3FB1]  }
0x31: {  	[smem:$0x3FBA] =	sst s10  }
0x32: {  	s10 =	sld [smem:$0x3FB8];
	_ =	sdelay $0x3  }
0x33: {  	p0 =	seq.s32 s10, $0x1;
	s10 =	sld [smem:$0x3FBA];
	_ =	sdelay $0x3  }
0x34: {  	[smem:$0x3FBA] =	sst s10  }
0x35: {  	s10 =	sld [smem:$0x3FB9];
	_ =	sdelay $0x3  }
0x36: {  	p1 =	seq.s32 s10, $0x1;
	s10 =	sld [smem:$0x3FBA];
	_ =	sdelay $0x3  }
0x37: {  	[smem:$0x3FBA] =	sst s10  }
0x38: {  	s10 =	sld [smem:$0x3FBB]  }
0x39: {  	_ = 	snop;
	(pc) =	sbr.ind lr, $3  }
0x3a: {  	_ = 	snop  }
0x3b: {  	_ = 	snop  }
0x3c: {  	p2 =	seq.s32 s10, $0x1;
	s10 =	sld [smem:$0x3FBA]  }
0x3d: {  	_ =	shalt  }
0x3e: {  	_ =	shalt  }
0x3f: {  	_ =	shalt  }
0x40: {  	_ =	shalt  }
0x41: {  	_ =	shalt  }
0x42: {  	_ =	shalt  }
0x43: {  	_ =	shalt  }
0x44: {  	_ =	shalt  }
0x45: {  	_ =	shalt  }
0x46: {  	_ =	shalt  }
0x47: {  	_ =	shalt  }
0x48: {  	_ =	shalt  }
0x49: {  	_ =	shalt  }
0x4a: {  	_ =	shalt  }
0x4b: {  	_ =	shalt  }
0x4c: {  	_ =	shalt  }
0x4d: {  	_ =	shalt  }
0x4e: {  	_ =	shalt  }
0x4f: {  	_ =	shalt  }
0x50: {  	_ =	shalt  }
0x51: {  	_ =	shalt  }
0x52: {  	_ =	shalt  }
0x53: {  	_ =	shalt  }
0x54: {  	_ =	shalt  }
0x55: {  	_ =	shalt  }
0x56: {  	_ =	shalt  }
0x57: {  	_ =	shalt  }
0x58: {  	_ =	shalt  }
0x59: {  	_ =	shalt  }
0x5a: {  	_ =	shalt  }
0x5b: {  	_ =	shalt  }
0x5c: {  	_ =	shalt  }
0x5d: {  	_ =	shalt  }
0x5e: {  	_ =	shalt  }
0x5f: {  	_ =	shalt  }
0x60: {  	_ =	shalt  }
0x61: {  	_ =	shalt  }
0x62: {  	_ =	shalt  }
0x63: {  	_ =	shalt  }
0x64: {  	_ =	shalt  }
0x65: {  	_ =	shalt  }
0x66: {  	_ =	shalt  }
0x67: {  	_ =	shalt  }
0x68: {  	_ =	shalt  }
0x69: {  	_ =	shalt  }
0x6a: {  	_ =	shalt  }
0x6b: {  	_ =	shalt  }
0x6c: {  	_ =	shalt  }
0x6d: {  	_ =	shalt  }
0x6e: {  	_ =	shalt  }
0x6f: {  	_ =	shalt  }
0x70: {  	_ =	shalt  }
0x71: {  	_ =	shalt  }
0x72: {  	_ =	shalt  }
0x73: {  	_ =	shalt  }
0x74: {  	_ =	shalt  }
0x75: {  	_ =	shalt  }
0x76: {  	_ =	shalt  }
0x77: {  	_ =	shalt  }
0x78: {  	_ =	shalt  }
0x79: {  	_ =	shalt  }
0x7a: {  	_ =	shalt  }
0x7b: {  	_ =	shalt  }
0x7c: {  	_ =	shalt  }
0x7d: {  	_ =	shalt  }
0x7e: {  	_ =	shalt  }
0x7f: {  	_ =	shalt  }
0x80: {  	_ =	shalt  }
0x81: {  	_ =	shalt  }
0x82: {  	_ =	shalt  }
0x83: {  	_ =	shalt  }
0x84: {  	_ =	shalt  }
0x85: {  	_ =	shalt  }
0x86: {  	_ =	shalt  }
0x87: {  	_ =	shalt  }
.Lfunc_end0:
.L_simem_size_0:
called_computation_lowered:
.L_overlay_start_0:
0x88: {  	s2 =	sld [smem:$0x3FD9]  }
0x89: {  	s3 =	sld [smem:$0x3FFE];
	_ =	sdelay $0x1  }
0x8a: {  	s1 =	srdreg.scid  }
0x8b: {  	s0 =	sand.u32 $0x1, s1  }
0x8c: {  	s17 =	sshll.u32 s0, $0xA;
	s2 =	sadd.s32 s3, s2  }
0x8d: {  	s2 =	sadd.s32 s2, s17  }
0x8e: {  	[smem:$0x3FC6] =	sst s2  }
0x8f: {  	_ = 	snop  }
0x90: {  	s2 =	sld [smem:$0x3FD0];
	(tm) =	ssettm $0x1  }
0x91: {  	s18 =	sld [smem:$0x3FFB];
	_ =	sdelay $0x3  }
0x92: {  	_ =	strace s18  }
0x93: {  	s3 =	sld [smem:$0x3FFC];
	_ =	sdelay $0x3  }
0x94: {  	_ =	strace s3  }
0x95: {  	s3 =	sld [smem:$0x3FFD];
	_ =	sdelay $0x3  }
0x96: {  	_ =	strace s3  }
0x97: {  	_ =	strace $0x8FFFFFFF  }
0x98: {  	s19 =	sld [smem:$0x3FDB];
	_ =	sdelay $0x1  }
0x99: {  	s4 =	simm.s32 $_scs_section_size  }
0x9a: {  	s5 =	simm.s32 $_size__tile_overlayer_lowered;
	s6 =	simm.s32 $_tile_overlayer_lowered  }
0x9b: {  	s22 =	simm.s32 $0x1BFF;
	s21 =	sshll.u32 s6, $0x1;
	s3 =	sadd.s32 s4, s19  }
0x9c: {  	s7 =	simm.s32 $0x0;
	s20 =	sshll.u32 s5, $0x1;
	s5 =	sadd.s32 s21, s3  }
0x9d: {  	[timem:s7], [sflag:s22] =	dma.local [hbm:s5], s20  }
0x9e: {  	_ =	swait.ge [sflag:s22], s20  }
0x9f: {  	s4 =	ssub.s32 $0x0, s20;
	[sflag:s22] =	ssyncset.done $0x0  }
0xa0: {  	[sflag:s22] =	ssyncadd.s32 s4;
	_ =	sdelay $0x1  }
0xa1: {  	s23 =	simm.s32 $0x1B8B  }
0xa2: {  	_ =	swait.ge [sflag:s23], $0x1  }
0xa3: {  	[sflag:s23] =	ssyncset.done $0x0  }
0xa4: {  	s25 =	simm.s32 $0x1B8E;
	s24 =	sld [smem:$0x3FFE];
	[sflag:s23] =	ssyncadd.s32 $0xFFFFFFFF  }
0xa5: {  	s26 =	simm.s32 $execute0_lowered;
	[smem:$0x3FD2] =	sst s25  }
0xa6: {  	s5 =	sshll.u32 s26, $0x1;
	_ =	strace $0x80000046;
	[dreg:$0x1] =	wrdreg $0xFFFFFFFF  }
0xa7: {  	s28 =	simm.s32 $_size_execute0_lowered;
	s3 =	sadd.s32 s3, s5;
	[dreg:$0x0] =	wrdreg $0x0  }
0xa8: {  	s5 =	sshll.u32 s28, $0x1;
	[dreg:$0x2] =	wrdreg s3  }
0xa9: {  	[dreg:$0x3] =	wrdreg s5  }
0xaa: {  	[dreg:$0x4] =	wrdreg $0xC0  }
0xab: {  	_ =	task [dreg:s7], $0x5FFFF  }
0xac: {  	[dreg:$0x1] =	wrdreg $0xFFFFFFFF  }
0xad: {  	[dreg:$0x0] =	wrdreg $0x60  }
0xae: {  	[dreg:$0x2] =	wrdreg s2  }
0xaf: {  	[dreg:$0x3] =	wrdreg s24  }
0xb0: {  	[dreg:$0x4] =	wrdreg $0x9  }
0xb1: {  	_ =	task.clear_ibuf [dreg:s7], $0x5FFFF;
	_ =	strace $0x90000046  }
0xb2: {  	s29 =	simm.s32 $0x9;
	_ =	strace $0x80000048  }
0xb3: {  	_ =	swait.ge [sflag:s29], $0x1  }
0xb4: {  	[sflag:s29] =	ssyncadd.s32 $0xFFFFFFFF  }
0xb5: {  	_ =	strace $0x90000048  }
0xb6: {  	_ =	sfence  }
0xb7: {  	s30 =	sld [smem:$0x0];
	_ =	sdelay $0x2  }
0xb8: {  	s31 =	sshll.u32 s1, $0xD;
	s1 =	sshrl.u32 s1, $0x2  }
0xb9: {  	s3 =	sand.u32 $0x4000, s31;
	s1 =	sadd.s32 s1, s30  }
0xba: {  	s0 =	sor.u32 s3, s0;
	s1 =	sshll.u32 s1, $0x11  }
0xbb: {  	s0 =	sor.u32 s1, s0  }
0xbc: {  	s0 =	sadd.s32 $0x8F2B, s0  }
0xbd: {  	[sflag:s0] =	ssyncadd.remote.s32 $0x1  }
0xbe: {  	_ =	sfence.sel $0xFFFF  }
0xbf: {  	[dreg:$0x0] =	wrdreg $0xFFFFFFFF;
	(pc) =	sbr.abs _section_cstart, $3  }
0xc0: {  	[dreg:$0x1] =	wrdreg $0xFFFFFFFF  }
0xc1: {  	_ =	task.clear_ibuf [dreg:s7], $0x2FFFF;
	_ =	strace $0x9FFFFFFF  }
0xc2: {  	(tm) =	ssettm $0x7FFFFFFF  }
0xc3: {  	_ =	shalt  }
tec
execute0_lowered:
.L_overlay_start_1:
0x0: {  	(tag) =	ssettag $0x1  }
0x1: {  	s0 =	rddreg [dreg:$0x0]  }
0x2: {  	s1 =	srdreg.scid;
	s9 =	stileid.u32  }
0x3: {  	s4 =	rddreg [dreg:$0x1];
	s2 =	simm.s32 $0x0;
	s30 =	simm.s32 $0x2  }
0x4: {  	s31 =	simm.s32 $0x4;
	s11 =	simm.s32 $0x8;
	s1 =	sand.u32 $0x1, s1  }
0x5: {  	s3 =	sshll.u32 s9, $0x1;
	[smem:$0x7FF] =	sst s2;
	s9 =	smul.u32 $0x190, s9  }
0x6: {  	s5 =	sor.u32 s1, s3;
	s8 =	ssub.s32 $0x2, s1;
	s1 =	smul.u32 $0xC8, s1  }
0x7: {  	s12 =	simm.s32 $0xD;
	_ =	strace $0x80000047;
	s6 =	smul.u32 $0xC80, s5  }
0x8: {  	s10 =	sadd.s32 $0x600, s4;
	s3 =	sadd.s32 $0xF42A00, s4;
	s7 =	smul.u32 $0x32000, s5  }
0x9: {  	[dreg:$0x7] =	wrdreg s10;
	s13 =	sshrl.u32 s8, $0x1;
	s5 =	smul.u32 $0x190000, s5  }
0xa: {  	s4 =	ssub.s32 s8, s13;
	s15 =	sadd.s32 s1, s9;
	s0 =	sadd.s32 s0, s6  }
0xb: {  	s8 =	simm.s32 $0x7;
	s7 =	sadd.s32 s10, s7;
	[dreg:$0x9] =	wrdreg s0  }
0xc: {  	s13 =	simm.s32 $0xE;
	s29 =	smax.u32 s4, $0x1;
	[dreg:$0x8] =	wrdreg s7  }
0xd: {  	s17 =	sshrl.u32 s5, $0x3;
	s14 =	sadd.s32 $0x400, s7;
	[dreg:$0x11] =	wrdreg s29  }
0xe: {  	s19 =	sshll.u32 s15, $0xA;
	s16 =	sadd.s32 $0x800, s7;
	[dreg:$0xa] =	wrdreg s14  }
0xf: {  	s6 =	simm.s32 $0x6;
	s18 =	sadd.s32 $0xC00, s7;
	[dreg:$0xb] =	wrdreg s16  }
0x10: {  	s15 =	simm.s32 $0x10;
	s21 =	sor.u32 $0x1800, s19;
	[dreg:$0xc] =	wrdreg s18  }
0x11: {  	s20 =	sadd.s32 s10, s17;
	s23 =	sor.u32 $0x1000, s19;
	[dreg:$0x3] =	wrdreg s21  }
0x12: {  	s25 =	sadd.s32 $0x2000, s19;
	s28 =	sadd.s32 $0x2800, s19;
	[dreg:$0x4] =	wrdreg s23  }
0x13: {  	s17 =	simm.s32 $0x80;
	s7 =	simm.s32 $0xB;
	[dreg:$0x5] =	wrdreg s25  }
0x14: {  	s10 =	simm.s32 $0xC;
	s22 =	sadd.s32 $0x31000, s20;
	[dreg:$0x6] =	wrdreg s28  }
0x15: {  	s24 =	sadd.s32 $0x31400, s20;
	s26 =	sadd.s32 $0x31800, s20;
	[dreg:$0xd] =	wrdreg s22  }
0x16: {  	s0 =	sadd.s32 $0x31C00, s20;
	s18 =	simm.s32 $0x6400;
	[dreg:$0xe] =	wrdreg s24  }
0x17: {  	s21 =	simm.s32 $0x8400;
	s23 =	simm.s32 $0xA400;
	[dreg:$0xf] =	wrdreg s26  }
0x18: {  	s20 =	simm.s32 $0xA;
	s14 =	simm.s32 $0xF;
	[dreg:$0x10] =	wrdreg s0  }
0x19: {  	s26 =	simm.s32 $0x1;
	s24 =	simm.s32 $0x3;
	s0 =	simm.s32 $0x0  }
.LBB2_1:
0x1a: {  	[dreg:$0x12] =	wrdreg s0  }
0x1b: {  	s4 =	rddreg [dreg:$0x9];
	s22 =	simm.s32 $0x11  }
0x1c: {  	[tilespmem:s2], [sflag:$0x11] =	stream.linear.gather [hbm4b:s4+s2], $0x6400, $0x38;
	[tilespmem:$0x16400] =	vst v63  }
0x1d: {  	_ =	swait.ge [sflag:s22], $0x6400  }
0x1e: {  	[sflag:s22] =	ssyncset.done $0x0  }
0x1f: {  	[sflag:s22] =	ssyncadd.s32 $0xFFFF9C00  }
0x20: {  	[tilespmem:s18], [sflag:$0x1] =	stream.indirect.gather [hbm4b:s3+s17], $0x40, s2, s17, $0xb8;
	[tilespmem:$0x16400] =	vst v63  }
0x21: {  	_ = 	snop  }
0x22: {  	[tilespmem:s21], [sflag:$0x2] =	stream.indirect.gather [hbm4b:s3+s17], $0x40, s17, s17, $0xb8;
	[tilespmem:$0x16400] =	vst v63  }
0x23: {  	s25 =	simm.s32 $0x100  }
0x24: {  	[tilespmem:s23], [sflag:$0x3] =	stream.indirect.gather [hbm4b:s3+s17], $0x40, s25, s17, $0xb8;
	[tilespmem:$0x16400] =	vst v63  }
0x25: {  	s28 =	simm.s32 $0x180;
	s1 =	simm.s32 $0xC400  }
0x26: {  	[tilespmem:s1], [sflag:$0x4] =	stream.indirect.gather [hbm4b:s3+s17], $0x40, s28, s17, $0xb8;
	[tilespmem:$0x16400] =	vst v63  }
0x27: {  	s0 =	simm.s32 $0x200;
	s22 =	simm.s32 $0xE400  }
0x28: {  	[tilespmem:s22], [sflag:$0x5] =	stream.indirect.gather [hbm4b:s3+s17], $0x40, s0, s17, $0xb8;
	[tilespmem:$0x16400] =	vst v63  }
0x29: {  	_ =	swait.ge [sflag:s26], $0x2000  }
0x2a: {  	[sflag:s26] =	ssyncset.done $0x0  }
0x2b: {  	s5 =	rddreg [dreg:$0x8];
	[sflag:s26] =	ssyncadd.s32 $0xFFFFE000  }
0x2c: {  	[hbm4b:s5+s2] =	stream.linear.scatter [tilespmem:s18], [sflag:$0x9], $0x2000, $0x38;
	[tilespmem:$0x16400] =	vst v63  }
0x2d: {  	s9 =	simm.s32 $0x280;
	s25 =	simm.s32 $0x10400  }
0x2e: {  	[tilespmem:s25], [sflag:$0x6] =	stream.indirect.gather [hbm4b:s3+s17], $0x40, s9, s17, $0xb8;
	[tilespmem:$0x16400] =	vst v63  }
0x2f: {  	_ =	swait.ge [sflag:s30], $0x2000  }
0x30: {  	[sflag:s30] =	ssyncset.done $0x0  }
0x31: {  	s16 =	rddreg [dreg:$0xa];
	[sflag:s30] =	ssyncadd.s32 $0xFFFFE000  }
0x32: {  	[hbm4b:s16+s2] =	stream.linear.scatter [tilespmem:s21], [sflag:$0xA], $0x2000, $0x38;
	[tilespmem:$0x16400] =	vst v63  }
0x33: {  	s29 =	simm.s32 $0x12400;
	s28 =	simm.s32 $0x300  }
0x34: {  	[tilespmem:s29], [sflag:$0x7] =	stream.indirect.gather [hbm4b:s3+s17], $0x40, s28, s17, $0xb8;
	[tilespmem:$0x16400] =	vst v63  }
0x35: {  	_ =	swait.ge [sflag:s24], $0x2000  }
0x36: {  	[sflag:s24] =	ssyncset.done $0x0  }
0x37: {  	s0 =	rddreg [dreg:$0xb];
	[sflag:s24] =	ssyncadd.s32 $0xFFFFE000  }
0x38: {  	[hbm4b:s0+s2] =	stream.linear.scatter [tilespmem:s23], [sflag:$0xB], $0x2000, $0x38;
	[tilespmem:$0x16400] =	vst v63  }
0x39: {  	s5 =	simm.s32 $0x380;
	s28 =	simm.s32 $0x14400  }
0x3a: {  	[tilespmem:s28], [sflag:$0x8] =	stream.indirect.gather [hbm4b:s3+s17], $0x40, s5, s17, $0xb8;
	[tilespmem:$0x16400] =	vst v63  }
0x3b: {  	_ =	swait.ge [sflag:s31], $0x2000  }
0x3c: {  	[sflag:s31] =	ssyncset.done $0x0  }
0x3d: {  	s16 =	simm.s32 $0x9;
	s9 =	rddreg [dreg:$0xc];
	[sflag:s31] =	ssyncadd.s32 $0xFFFFE000  }
0x3e: {  	[hbm4b:s9+s2] =	stream.linear.scatter [tilespmem:s1], [sflag:$0xC], $0x2000, $0x38;
	[tilespmem:$0x16400] =	vst v63  }
0x3f: {  	_ =	swait.ge [sflag:s16], $0x2000  }
0x40: {  	[sflag:s16] =	ssyncset.done $0x0  }
0x41: {  	s4 =	simm.s32 $0x5;
	s0 =	simm.s32 $0x400;
	[sflag:s16] =	ssyncadd.s32 $0xFFFFE000  }
0x42: {  	[tilespmem:s18], [sflag:$0x1] =	stream.indirect.gather [hbm4b:s3+s17], $0x40, s0, s17, $0xb8;
	[tilespmem:$0x16400] =	vst v63  }
0x43: {  	s5 =	rddreg [dreg:$0x4];
	_ =	swait.ge [sflag:s4], $0x2000  }
0x44: {  	[sflag:s4] =	ssyncset.done $0x0;
	s9 =	rddreg [dreg:$0x7]  }
0x45: {  	s16 =	sadd.s32 s9, s5;
	[sflag:s4] =	ssyncadd.s32 $0xFFFFE000  }
0x46: {  	[hbm4b:s16+s2] =	stream.linear.scatter [tilespmem:s22], [sflag:$0xD], $0x2000, $0x38;
	[tilespmem:$0x16400] =	vst v63  }
0x47: {  	_ =	swait.ge [sflag:s20], $0x2000  }
0x48: {  	[sflag:s20] =	ssyncset.done $0x0  }
0x49: {  	s5 =	simm.s32 $0x480;
	[sflag:s20] =	ssyncadd.s32 $0xFFFFE000  }
0x4a: {  	[tilespmem:s21], [sflag:$0x2] =	stream.indirect.gather [hbm4b:s3+s17], $0x40, s5, s17, $0xb8;
	[tilespmem:$0x16400] =	vst v63  }
0x4b: {  	_ =	swait.ge [sflag:s6], $0x2000  }
0x4c: {  	s4 =	sadd.s32 s9, s19;
	[sflag:s6] =	ssyncset.done $0x0  }
0x4d: {  	s16 =	sadd.s32 $0x1400, s4;
	[sflag:s6] =	ssyncadd.s32 $0xFFFFE000  }
0x4e: {  	[hbm4b:s16+s2] =	stream.linear.scatter [tilespmem:s25], [sflag:$0xE], $0x2000, $0x38;
	[tilespmem:$0x16400] =	vst v63  }
0x4f: {  	_ =	swait.ge [sflag:s7], $0x2000  }
0x50: {  	[sflag:s7] =	ssyncset.done $0x0  }
0x51: {  	s0 =	simm.s32 $0x500;
	[sflag:s7] =	ssyncadd.s32 $0xFFFFE000  }
0x52: {  	[tilespmem:s23], [sflag:$0x3] =	stream.indirect.gather [hbm4b:s3+s17], $0x40, s0, s17, $0xb8;
	[tilespmem:$0x16400] =	vst v63  }
0x53: {  	s16 =	rddreg [dreg:$0x3];
	_ =	swait.ge [sflag:s8], $0x2000  }
0x54: {  	[sflag:s8] =	ssyncset.done $0x0  }
0x55: {  	s16 =	sadd.s32 s9, s16;
	[sflag:s8] =	ssyncadd.s32 $0xFFFFE000  }
0x56: {  	[hbm4b:s16+s2] =	stream.linear.scatter [tilespmem:s29], [sflag:$0xF], $0x2000, $0x38;
	[tilespmem:$0x16400] =	vst v63  }
0x57: {  	_ =	swait.ge [sflag:s10], $0x2000  }
0x58: {  	[sflag:s10] =	ssyncset.done $0x0  }
0x59: {  	s0 =	simm.s32 $0x580;
	[sflag:s10] =	ssyncadd.s32 $0xFFFFE000  }
0x5a: {  	[tilespmem:s1], [sflag:$0x4] =	stream.indirect.gather [hbm4b:s3+s17], $0x40, s0, s17, $0xb8;
	[tilespmem:$0x16400] =	vst v63  }
0x5b: {  	_ =	swait.ge [sflag:s11], $0x2000  }
0x5c: {  	[sflag:s11] =	ssyncset.done $0x0  }
0x5d: {  	s4 =	sadd.s32 $0x1C00, s4;
	[sflag:s11] =	ssyncadd.s32 $0xFFFFE000  }
0x5e: {  	[hbm4b:s4+s2] =	stream.linear.scatter [tilespmem:s28], [sflag:$0x10], $0x2000, $0x38;
	[tilespmem:$0x16400] =	vst v63  }
0x5f: {  	_ =	swait.ge [sflag:s12], $0x2000  }
0x60: {  	[sflag:s12] =	ssyncset.done $0x0  }
0x61: {  	s16 =	simm.s32 $0x600;
	[sflag:s12] =	ssyncadd.s32 $0xFFFFE000  }
0x62: {  	[tilespmem:s22], [sflag:$0x5] =	stream.indirect.gather [hbm4b:s3+s17], $0x40, s16, s17, $0xb8;
	[tilespmem:$0x16400] =	vst v63  }
0x63: {  	s0 =	rddreg [dreg:$0x5];
	_ =	swait.ge [sflag:s26], $0x2000  }
0x64: {  	[sflag:s26] =	ssyncset.done $0x0  }
0x65: {  	s1 =	sadd.s32 s9, s0;
	[sflag:s26] =	ssyncadd.s32 $0xFFFFE000  }
0x66: {  	[hbm4b:s1+s2] =	stream.linear.scatter [tilespmem:s18], [sflag:$0x9], $0x2000, $0x38;
	[tilespmem:$0x16400] =	vst v63  }
0x67: {  	_ =	swait.ge [sflag:s13], $0x2000  }
0x68: {  	[sflag:s13] =	ssyncset.done $0x0  }
0x69: {  	s16 =	simm.s32 $0x680;
	[sflag:s13] =	ssyncadd.s32 $0xFFFFE000  }
0x6a: {  	[tilespmem:s25], [sflag:$0x6] =	stream.indirect.gather [hbm4b:s3+s17], $0x40, s16, s17, $0xb8;
	[tilespmem:$0x16400] =	vst v63  }
0x6b: {  	_ =	swait.ge [sflag:s30], $0x2000  }
0x6c: {  	[sflag:s30] =	ssyncset.done $0x0  }
0x6d: {  	s18 =	sadd.s32 $0x400, s1;
	[sflag:s30] =	ssyncadd.s32 $0xFFFFE000  }
0x6e: {  	[hbm4b:s18+s2] =	stream.linear.scatter [tilespmem:s21], [sflag:$0xA], $0x2000, $0x38;
	[tilespmem:$0x16400] =	vst v63  }
0x6f: {  	_ =	swait.ge [sflag:s14], $0x2000  }
0x70: {  	[sflag:s14] =	ssyncset.done $0x0  }
0x71: {  	s22 =	simm.s32 $0x700;
	[sflag:s14] =	ssyncadd.s32 $0xFFFFE000  }
0x72: {  	[tilespmem:s29], [sflag:$0x7] =	stream.indirect.gather [hbm4b:s3+s17], $0x40, s22, s17, $0xb8;
	[tilespmem:$0x16400] =	vst v63  }
0x73: {  	s25 =	rddreg [dreg:$0x6];
	_ =	swait.ge [sflag:s24], $0x2000  }
0x74: {  	[sflag:s24] =	ssyncset.done $0x0  }
0x75: {  	s26 =	sadd.s32 s9, s25;
	[sflag:s24] =	ssyncadd.s32 $0xFFFFE000  }
0x76: {  	[hbm4b:s26+s2] =	stream.linear.scatter [tilespmem:s23], [sflag:$0xB], $0x2000, $0x38;
	[tilespmem:$0x16400] =	vst v63  }
0x77: {  	_ =	swait.ge [sflag:s15], $0x2000  }
0x78: {  	[sflag:s15] =	ssyncset.done $0x0  }
0x79: {  	s30 =	simm.s32 $0x780;
	[sflag:s15] =	ssyncadd.s32 $0xFFFFE000  }
0x7a: {  	[tilespmem:s28], [sflag:$0x8] =	stream.indirect.gather [hbm4b:s3+s17], $0x40, s30, s17, $0xb8;
	[tilespmem:$0x16400] =	vst v63  }
0x7b: {  	s4 =	sadd.s32 $0x2000, s9;
	s5 =	sadd.s32 $0xC00, s1;
	_ =	swait.ge [sflag:s31], $0x2000  }
0x7c: {  	s16 =	simm.s32 $0x1000;
	s25 =	simm.s32 $0x8400;
	[sflag:s31] =	ssyncset.done $0x0  }
0x7d: {  	s29 =	simm.s32 $0xA400;
	s23 =	simm.s32 $0x6400;
	[sflag:s31] =	ssyncadd.s32 $0xFFFFE000  }
.LBB2_2:
0x7e: {  	s22 =	simm.s32 $0xC400;
	s0 =	simm.s32 $0x9  }
0x7f: {  	[hbm4b:s5+s2] =	stream.linear.scatter [tilespmem:s22], [sflag:$0xC], $0x2000, $0x38;
	[tilespmem:$0x16400] =	vst v63  }
0x80: {  	s1 =	smov.u32 s16;
	_ =	swait.ge [sflag:s0], $0x2000  }
0x81: {  	s5 =	sshra.s32 s1, $0x2;
	[sflag:s0] =	ssyncset.done $0x0  }
0x82: {  	s9 =	sadd.s32 $0x400, s5;
	[sflag:s0] =	ssyncadd.s32 $0xFFFFE000  }
0x83: {  	[tilespmem:s23], [sflag:$0x1] =	stream.indirect.gather [hbm4b:s3+s17], $0x40, s9, s17, $0xb8;
	[tilespmem:$0x16400] =	vst v63  }
0x84: {  	s9 =	simm.s32 $0x5  }
0x85: {  	s18 =	rddreg [dreg:$0x4];
	_ =	swait.ge [sflag:s9], $0x2000  }
0x86: {  	[sflag:s9] =	ssyncset.done $0x0  }
0x87: {  	s26 =	simm.s32 $0xE400;
	s18 =	sadd.s32 s4, s18;
	[sflag:s9] =	ssyncadd.s32 $0xFFFFE000  }
0x88: {  	[hbm4b:s18+s2] =	stream.linear.scatter [tilespmem:s26], [sflag:$0xD], $0x2000, $0x38;
	[tilespmem:$0x16400] =	vst v63  }
0x89: {  	_ =	swait.ge [sflag:s20], $0x2000  }
0x8a: {  	[sflag:s20] =	ssyncset.done $0x0  }
0x8b: {  	s21 =	sadd.s32 $0x480, s5;
	[sflag:s20] =	ssyncadd.s32 $0xFFFFE000  }
0x8c: {  	[tilespmem:s25], [sflag:$0x2] =	stream.indirect.gather [hbm4b:s3+s17], $0x40, s21, s17, $0xb8;
	[tilespmem:$0x16400] =	vst v63  }
0x8d: {  	_ =	swait.ge [sflag:s6], $0x2000  }
0x8e: {  	s9 =	sadd.s32 s4, s19;
	[sflag:s6] =	ssyncset.done $0x0  }
0x8f: {  	s30 =	simm.s32 $0x10400;
	s24 =	sadd.s32 $0x1400, s9;
	[sflag:s6] =	ssyncadd.s32 $0xFFFFE000  }
0x90: {  	[hbm4b:s24+s2] =	stream.linear.scatter [tilespmem:s30], [sflag:$0xE], $0x2000, $0x38;
	[tilespmem:$0x16400] =	vst v63  }
0x91: {  	_ =	swait.ge [sflag:s7], $0x2000  }
0x92: {  	[sflag:s7] =	ssyncset.done $0x0  }
0x93: {  	s0 =	sadd.s32 $0x500, s5;
	[sflag:s7] =	ssyncadd.s32 $0xFFFFE000  }
0x94: {  	[tilespmem:s29], [sflag:$0x3] =	stream.indirect.gather [hbm4b:s3+s17], $0x40, s0, s17, $0xb8;
	[tilespmem:$0x16400] =	vst v63  }
0x95: {  	s1 =	rddreg [dreg:$0x3];
	_ =	swait.ge [sflag:s8], $0x2000  }
0x96: {  	s21 =	smov.u32 s19;
	[sflag:s8] =	ssyncset.done $0x0  }
0x97: {  	s24 =	simm.s32 $0x12400;
	s19 =	sadd.s32 s4, s1;
	[sflag:s8] =	ssyncadd.s32 $0xFFFFE000  }
0x98: {  	[hbm4b:s19+s2] =	stream.linear.scatter [tilespmem:s24], [sflag:$0xF], $0x2000, $0x38;
	[tilespmem:$0x16400] =	vst v63  }
0x99: {  	_ =	swait.ge [sflag:s10], $0x2000  }
0x9a: {  	[sflag:s10] =	ssyncset.done $0x0  }
0x9b: {  	s0 =	sadd.s32 $0x580, s5;
	[sflag:s10] =	ssyncadd.s32 $0xFFFFE000  }
0x9c: {  	[tilespmem:s22], [sflag:$0x4] =	stream.indirect.gather [hbm4b:s3+s17], $0x40, s0, s17, $0xb8;
	[tilespmem:$0x16400] =	vst v63  }
0x9d: {  	_ =	swait.ge [sflag:s11], $0x2000  }
0x9e: {  	[sflag:s11] =	ssyncset.done $0x0  }
0x9f: {  	s31 =	simm.s32 $0x14400;
	s9 =	sadd.s32 $0x1C00, s9;
	[sflag:s11] =	ssyncadd.s32 $0xFFFFE000  }
0xa0: {  	[hbm4b:s9+s2] =	stream.linear.scatter [tilespmem:s31], [sflag:$0x10], $0x2000, $0x38;
	[tilespmem:$0x16400] =	vst v63  }
0xa1: {  	_ =	swait.ge [sflag:s12], $0x2000  }
0xa2: {  	[sflag:s12] =	ssyncset.done $0x0  }
0xa3: {  	s19 =	sadd.s32 $0x600, s5;
	[sflag:s12] =	ssyncadd.s32 $0xFFFFE000  }
0xa4: {  	[tilespmem:s26], [sflag:$0x5] =	stream.indirect.gather [hbm4b:s3+s17], $0x40, s19, s17, $0xb8;
	[tilespmem:$0x16400] =	vst v63  }
0xa5: {  	s26 =	simm.s32 $0x1  }
0xa6: {  	s0 =	rddreg [dreg:$0x5];
	_ =	swait.ge [sflag:s26], $0x2000  }
0xa7: {  	[sflag:s26] =	ssyncset.done $0x0  }
0xa8: {  	s9 =	sadd.s32 s4, s0;
	[sflag:s26] =	ssyncadd.s32 $0xFFFFE000  }
0xa9: {  	[hbm4b:s9+s2] =	stream.linear.scatter [tilespmem:s23], [sflag:$0x9], $0x2000, $0x38;
	[tilespmem:$0x16400] =	vst v63  }
0xaa: {  	_ =	swait.ge [sflag:s13], $0x2000  }
0xab: {  	[sflag:s13] =	ssyncset.done $0x0  }
0xac: {  	s19 =	sadd.s32 $0x680, s5;
	[sflag:s13] =	ssyncadd.s32 $0xFFFFE000  }
0xad: {  	[tilespmem:s30], [sflag:$0x6] =	stream.indirect.gather [hbm4b:s3+s17], $0x40, s19, s17, $0xb8;
	[tilespmem:$0x16400] =	vst v63  }
0xae: {  	s30 =	simm.s32 $0x2  }
0xaf: {  	_ =	swait.ge [sflag:s30], $0x2000  }
0xb0: {  	[sflag:s30] =	ssyncset.done $0x0  }
0xb1: {  	s19 =	sadd.s32 $0x400, s9;
	[sflag:s30] =	ssyncadd.s32 $0xFFFFE000  }
0xb2: {  	[hbm4b:s19+s2] =	stream.linear.scatter [tilespmem:s25], [sflag:$0xA], $0x2000, $0x38;
	[tilespmem:$0x16400] =	vst v63  }
0xb3: {  	_ =	swait.ge [sflag:s14], $0x2000  }
0xb4: {  	[sflag:s14] =	ssyncset.done $0x0  }
0xb5: {  	s18 =	sadd.s32 $0x700, s5;
	[sflag:s14] =	ssyncadd.s32 $0xFFFFE000  }
0xb6: {  	[tilespmem:s24], [sflag:$0x7] =	stream.indirect.gather [hbm4b:s3+s17], $0x40, s18, s17, $0xb8;
	[tilespmem:$0x16400] =	vst v63  }
0xb7: {  	s24 =	simm.s32 $0x3  }
0xb8: {  	s19 =	rddreg [dreg:$0x6];
	_ =	swait.ge [sflag:s24], $0x2000  }
0xb9: {  	[sflag:s24] =	ssyncset.done $0x0  }
0xba: {  	s18 =	sadd.s32 s4, s19;
	[sflag:s24] =	ssyncadd.s32 $0xFFFFE000  }
0xbb: {  	[hbm4b:s18+s2] =	stream.linear.scatter [tilespmem:s29], [sflag:$0xB], $0x2000, $0x38;
	[tilespmem:$0x16400] =	vst v63  }
0xbc: {  	_ =	swait.ge [sflag:s15], $0x2000  }
0xbd: {  	[sflag:s15] =	ssyncset.done $0x0  }
0xbe: {  	p0 =	sne.s32 s16, $0x17000;
	s5 =	sadd.s32 $0x780, s5;
	[sflag:s15] =	ssyncadd.s32 $0xFFFFE000  }
0xbf: {  	[tilespmem:s31], [sflag:$0x8] =	stream.indirect.gather [hbm4b:s3+s17], $0x40, s5, s17, $0xb8;
	[tilespmem:$0x16400] =	vst v63  }
.Ltmp0:
0xc0: {  	s16 =	sadd.s32 $0x1000, s16;
	(pc) =	sbr.rel @p0 .LBB2_2-.Ltmp0, $4  }
0xc1: {  	s28 =	simm.s32 $0x12400;
	s1 =	simm.s32 $0xC400;
	s31 =	simm.s32 $0x4  }
0xc2: {  	s22 =	simm.s32 $0xE400;
	s0 =	simm.s32 $0x10400;
	_ =	swait.ge [sflag:s31], $0x2000  }
0xc3: {  	s19 =	smov.u32 s21;
	s4 =	sadd.s32 $0x2000, s4;
	[sflag:s31] =	ssyncset.done $0x0  }
0xc4: {  	s18 =	simm.s32 $0x14400;
	s5 =	sadd.s32 $0xC00, s9;
	[sflag:s31] =	ssyncadd.s32 $0xFFFFE000  }
0xc5: {  	[hbm4b:s5+s2] =	stream.linear.scatter [tilespmem:s1], [sflag:$0xC], $0x2000, $0x38;
	[tilespmem:$0x16400] =	vst v63  }
0xc6: {  	s16 =	simm.s32 $0x5  }
0xc7: {  	_ =	swait.ge [sflag:s16], $0x2000  }
0xc8: {  	[sflag:s16] =	ssyncset.done $0x0  }
0xc9: {  	s4 =	rddreg [dreg:$0xd];
	[sflag:s16] =	ssyncadd.s32 $0xFFFFE000  }
0xca: {  	[hbm4b:s4+s2] =	stream.linear.scatter [tilespmem:s22], [sflag:$0xD], $0x2000, $0x38;
	[tilespmem:$0x16400] =	vst v63  }
0xcb: {  	_ =	swait.ge [sflag:s6], $0x2000  }
0xcc: {  	[sflag:s6] =	ssyncset.done $0x0  }
0xcd: {  	s21 =	rddreg [dreg:$0xe];
	[sflag:s6] =	ssyncadd.s32 $0xFFFFE000  }
0xce: {  	[hbm4b:s21+s2] =	stream.linear.scatter [tilespmem:s0], [sflag:$0xE], $0x2000, $0x38;
	[tilespmem:$0x16400] =	vst v63  }
0xcf: {  	_ =	swait.ge [sflag:s8], $0x2000  }
0xd0: {  	[sflag:s8] =	ssyncset.done $0x0  }
0xd1: {  	s22 =	rddreg [dreg:$0xf];
	[sflag:s8] =	ssyncadd.s32 $0xFFFFE000  }
0xd2: {  	[hbm4b:s22+s2] =	stream.linear.scatter [tilespmem:s28], [sflag:$0xF], $0x2000, $0x38;
	[tilespmem:$0x16400] =	vst v63  }
0xd3: {  	_ =	swait.ge [sflag:s11], $0x2000  }
0xd4: {  	[sflag:s11] =	ssyncset.done $0x0  }
0xd5: {  	s25 =	simm.s32 $0x9;
	s23 =	rddreg [dreg:$0x10];
	[sflag:s11] =	ssyncadd.s32 $0xFFFFE000  }
0xd6: {  	[hbm4b:s23+s2] =	stream.linear.scatter [tilespmem:s18], [sflag:$0x10], $0x2000, $0x38;
	[tilespmem:$0x16400] =	vst v63  }
0xd7: {  	_ =	swait.ge [sflag:s25], $0x2000  }
0xd8: {  	[sflag:s25] =	ssyncset.done $0x0  }
0xd9: {  	[sflag:s25] =	ssyncadd.s32 $0xFFFFE000  }
0xda: {  	_ =	swait.ge [sflag:s20], $0x2000  }
0xdb: {  	[sflag:s20] =	ssyncset.done $0x0  }
0xdc: {  	[sflag:s20] =	ssyncadd.s32 $0xFFFFE000  }
0xdd: {  	_ =	swait.ge [sflag:s7], $0x2000  }
0xde: {  	[sflag:s7] =	ssyncset.done $0x0  }
0xdf: {  	[sflag:s7] =	ssyncadd.s32 $0xFFFFE000  }
0xe0: {  	_ =	swait.ge [sflag:s10], $0x2000  }
0xe1: {  	[sflag:s10] =	ssyncset.done $0x0  }
0xe2: {  	[sflag:s10] =	ssyncadd.s32 $0xFFFFE000  }
0xe3: {  	_ =	swait.ge [sflag:s12], $0x2000  }
0xe4: {  	[sflag:s12] =	ssyncset.done $0x0  }
0xe5: {  	[sflag:s12] =	ssyncadd.s32 $0xFFFFE000  }
0xe6: {  	_ =	swait.ge [sflag:s13], $0x2000  }
0xe7: {  	[sflag:s13] =	ssyncset.done $0x0  }
0xe8: {  	[sflag:s13] =	ssyncadd.s32 $0xFFFFE000  }
0xe9: {  	_ =	swait.ge [sflag:s14], $0x2000  }
0xea: {  	[sflag:s14] =	ssyncset.done $0x0  }
0xeb: {  	[sflag:s14] =	ssyncadd.s32 $0xFFFFE000  }
0xec: {  	_ =	swait.ge [sflag:s15], $0x2000  }
0xed: {  	s28 =	rddreg [dreg:$0x12]  }
0xee: {  	s29 =	rddreg [dreg:$0x11];
	s0 =	sadd.s32 $0x1, s28  }
0xef: {  	p0 =	sne.s32 s0, s29  }
.Ltmp1:
0xf0: {  	_ = 	snop;
	(pc) =	sbr.rel @p0 .LBB2_1-.Ltmp1, $3  }
0xf1: {  	_ =	sdelay $0x1  }
0xf2: {  	s21 =	simm.s32 $0x8400;
	[sflag:s15] =	ssyncset.done $0x0  }
0xf3: {  	s18 =	simm.s32 $0x6400;
	s23 =	simm.s32 $0xA400;
	[sflag:s15] =	ssyncadd.s32 $0xFFFFE000  }
0xf4: {  	_ =	sfence.sel $0x180000  }
0xf5: {  	[bflag:$0x0] =	sbarrier.arrive $0xFFFF  }
0xf6: {  	_ =	strace $0x90000047  }
0xf7: {  	s0 =	stileid.u32;
	[bflag:$0x2] =	sbarrier.arrive $0xFFFF  }
0xf8: {  	p0 =	sne.s32 s0, $0x0;
	s0 =	rddreg [dreg:$0x2]  }
0xf9: {  	s0 =	sadd.s32 @!p0 $0x100000, s0  }
0xfa: {  	[sflag:s0] =	ssyncadd.tile.s32 @!p0 $0x1;
	_ =	shalt  }
.Lfunc_end2:
_tile_overlayer_lowered:
.L_overlay_start_2:
0xfb: {  	(tag) =	ssettag $0x2  }
0xfc: {  	s0 =	rddreg [dreg:$0x0];
	s2 =	stileid.u32  }
0xfd: {  	s1 =	rddreg [dreg:$0x1];
	p0 =	sne.s32 s2, $0x0  }
0xfe: {  	s3 =	rddreg [dreg:$0x2];
	[bflag:$0x3] =	sbarrier.arrive $0xFFFF;
	s2 =	simm.s32 @!p0 $0x1C11  }
0xff: {  	[timem:s3], [sflag:s2] =	dma.local @!p0 [hbm:s0], s1  }
0x100: {  	s0 =	simm.s32 @!p0 $0x11  }
0x101: {  	_ =	swait.ge @!p0 [sflag:s0], s1  }
0x102: {  	s1 =	ssub.s32 @!p0 $0x0, s1;
	[sflag:s0] =	ssyncset.done @!p0 $0x0  }
0x103: {  	[sflag:s0] =	ssyncadd.s32 @!p0 s1  }
0x104: {  	[bflag:$0x3] =	sbarrier.arrive $0xFFFF  }
0x105: {  	_ =	shalt  }

</sc_bundles>
